<compile_context>
chip_gen: v7x
topology: tpu7x:2x2x1
jax: 0.10.2.dev20260603
libtpu: 0.0.44.dev20260713+nightly
codegen_flags: <defaults>
</compile_context>

<pallas_src>
import functools

import jax
import jax.numpy as jnp
from jax import lax
from jax.experimental import pallas as pl
from jax.experimental.pallas import tpu as pltpu
from jax.experimental.pallas import tpu_sc as plsc

B, N, H, W, D = 128, 10, 30, 30, 64
NUM_COLORS = 11
HW = H * W
P = N * NUM_COLORS
CELLS = B * N * HW
NW = 32
CPT = CELLS // NW
CHUNK = 120
KCH = 5
SUPER = CHUNK * KCH
ITERS = CPT // SUPER
NBUF = 3


def _mega_body(color_ref, row_ref, col_ref, ex_ref, role_ref, out_ref):
    n = pl.program_id(0)
    exro = ex_ref[pl.ds(n // 2 + 1, 1), :] + role_ref[pl.ds(n % 2, 1), :]
    out_ref[...] = (color_ref[...][:, None, None, :]
                    + row_ref[...][None, :, None, :]
                    + col_ref[...][None, None, :, :]
                    + exro[:, None, None, :])


def _build_mega(color_table, row_table, col_table, example_table, role_table):
    return pl.pallas_call(
        _mega_body,
        grid=(N,),
        in_specs=[
            pl.BlockSpec((NUM_COLORS, D), lambda n: (0, 0)),
            pl.BlockSpec((H, D), lambda n: (0, 0)),
            pl.BlockSpec((W, D), lambda n: (0, 0)),
            pl.BlockSpec((NUM_COLORS, D), lambda n: (0, 0)),
            pl.BlockSpec((2, D), lambda n: (0, 0)),
        ],
        out_specs=pl.BlockSpec((NUM_COLORS, H, W, D), lambda n: (n, 0, 0, 0)),
        out_shape=jax.ShapeDtypeStruct((P, H, W, D), jnp.float32),
    )(color_table, row_table, col_table, example_table, role_table)


_FB = 4


def _fidx_body(g_ref, out_ref):
    n_l = lax.broadcasted_iota(jnp.int32, (_FB, N, HW), 1)
    hw = lax.broadcasted_iota(jnp.int32, (_FB, N, HW), 2)
    out_ref[...] = g_ref[...] * HW + n_l * (NUM_COLORS * HW) + hw


def _build_fidx(grids3):
    return pl.pallas_call(
        _fidx_body,
        grid=(B // _FB,),
        in_specs=[pl.BlockSpec((_FB, N, HW), lambda b: (b, 0, 0))],
        out_specs=pl.BlockSpec((_FB, N, HW), lambda b: (b, 0, 0)),
        out_shape=jax.ShapeDtypeStruct((B, N, HW), jnp.int32),
    )(grids3)


_MESH = plsc.VectorSubcoreMesh(core_axis_name="c", subcore_axis_name="s")


@functools.partial(
    pl.kernel,
    mesh=_MESH,
    compiler_params=pltpu.CompilerParams(use_tc_tiling_on_sc=False),
    out_type=jax.ShapeDtypeStruct((CELLS, D), jnp.float32),
    scratch_types=[
        pltpu.VMEM((NBUF, SUPER), jnp.int32),
        pltpu.VMEM((NBUF, SUPER, D), jnp.float32),
        pltpu.SemaphoreType.DMA,
        pltpu.SemaphoreType.DMA,
        pltpu.SemaphoreType.DMA,
        pltpu.SemaphoreType.DMA,
        pltpu.SemaphoreType.DMA,
        pltpu.SemaphoreType.DMA,
    ],
)
def _sc_gather(mega_hbm, fidx_hbm, out_hbm, idx_v, rows_v,
               gs0, gs1, gs2, ss0, ss1, ss2):
    gsem = (gs0, gs1, gs2)
    ssem = (ss0, ss1, ss2)
    wid = lax.axis_index("s") * 2 + lax.axis_index("c")
    cell0 = wid * CPT

    def load_and_fire(i, b):
        base_cell = cell0 + i * SUPER
        pltpu.sync_copy(fidx_hbm.at[pl.ds(base_cell, SUPER)], idx_v.at[b])
        for j in range(KCH):
            pltpu.async_copy(
                mega_hbm.at[idx_v.at[b, pl.ds(j * CHUNK, CHUNK)]],
                rows_v.at[b, pl.ds(j * CHUNK, CHUNK)],
                gsem[b],
            )

    def drain_gathers(b):
        pltpu.make_async_copy(out_hbm.at[pl.ds(0, SUPER)], rows_v.at[b],
                              gsem[b]).wait()

    def fire_scatter(i, b):
        pltpu.async_copy(rows_v.at[b],
                         out_hbm.at[pl.ds(cell0 + i * SUPER, SUPER)], ssem[b])

    def wait_scatter(b):
        pltpu.make_async_copy(out_hbm.at[pl.ds(0, SUPER)], rows_v.at[b],
                              ssem[b]).wait()

    load_and_fire(0, 0)
    load_and_fire(1, 1)
    drain_gathers(0)
    fire_scatter(0, 0)
    load_and_fire(2, 2)

    def body(k, carry):
        for j in range(3):
            i = 1 + 3 * k + j
            b = (1 + j) % 3
            drain_gathers(b)
            fire_scatter(i, b)
            wait_scatter(j)
            load_and_fire(i + 2, j)
        return carry

    lax.fori_loop(0, (ITERS - 3) // 3, body, 0)

    for i in (ITERS - 2, ITERS - 1):
        b = i % 3
        drain_gathers(b)
        fire_scatter(i, b)
    for b in range(3):
        wait_scatter(b)


def kernel(grids, color_table, row_table, col_table, example_table, role_table):
    grids = grids.astype(jnp.int32)
    mega = _build_mega(color_table, row_table, col_table, example_table, role_table)
    mega = mega.reshape(P * HW, D)
    fidx = _build_fidx(grids.reshape(B, N, HW))
    fidx = fidx.reshape(CELLS)
    out = _sc_gather(mega, fidx)
    return out.reshape(B, N, H, W, D)

# --- scband reference (transcript-rebuilt; emitter-appended) ---
"""Pipeline reference for scband-grid-embed-10505490006227 (READ-ONLY COPY).

The authoritative reference and input builder live on the scoring server;
editing this copy changes nothing except your own understanding.
"""

import jax, jax.numpy as jnp
import numpy as np

B, N, H, W, D = 128, 10, 30, 30, 64
NUM_COLORS, NUM_EXAMPLES = 11, 11


def setup_inputs(seed: int = 0) -> dict:
    key = jax.random.key(seed)
    ks = jax.random.split(key, 6)
    grids = jax.random.randint(ks[0], (B, N, H, W), 0, NUM_COLORS, dtype=jnp.int64 if jax.config.jax_enable_x64 else jnp.int32)
    color_table = jax.random.normal(ks[1], (NUM_COLORS, D), dtype=jnp.float32)
    row_table = jax.random.normal(ks[2], (H, D), dtype=jnp.float32)
    col_table = jax.random.normal(ks[3], (W, D), dtype=jnp.float32)
    example_table = jax.random.normal(ks[4], (NUM_EXAMPLES, D), dtype=jnp.float32)
    role_table = jax.random.normal(ks[5], (2, D), dtype=jnp.float32)
    return {
        "grids": grids,
        "color_table": color_table,
        "row_table": row_table,
        "col_table": col_table,
        "example_table": example_table,
        "role_table": role_table,
    }


def reference(grids, color_table, row_table, col_table, example_table, role_table):
    b, n, h, w = grids.shape
    d = color_table.shape[1]
    # color embedding gather: (B, N, H, W, D)
    color_emb = jnp.take(color_table, grids, axis=0).reshape(b, n, h, w, d)
    rows = jnp.arange(h)
    cols = jnp.arange(w)
    row_emb = jnp.take(row_table, rows, axis=0).reshape(1, 1, h, 1, d)
    col_emb = jnp.take(col_table, cols, axis=0).reshape(1, 1, 1, w, d)
    if n > 1:
        example_ids = jnp.arange(n) // 2 + 1
    else:
        example_ids = jnp.array([0])
    example_emb = jnp.take(example_table, example_ids, axis=0).reshape(1, n, 1, 1, d)
    if n > 1:
        role_ids = jnp.arange(n) % 2
    else:
        role_ids = jnp.array([0])
    role_emb = jnp.take(role_table, role_ids, axis=0).reshape(1, n, 1, 1, d)
    emb = (color_emb
           + row_emb.reshape(1, 1, h, 1, d)
           + col_emb.reshape(1, 1, 1, w, d)
           + example_emb.reshape(1, n, 1, 1, d)
           + role_emb.reshape(1, n, 1, 1, d))
    return emb

if __name__ == "__main__":
    import jax
    _d = setup_inputs()
    print(jax.jit(kernel)(*tuple(_d.values())))

</pallas_src>

<mosaic_0001>
#map = affine_map<(d0, d1) -> (0, 0)>
#map1 = affine_map<(d0, d1) -> (0)>
module attributes {stable_mosaic.version = 14 : i64} {
  func.func @_sc_gather(%arg0: i32, %arg1: i32, %arg2: memref<99000x64xf32, #tpu.memory_space<hbm>>, %arg3: memref<1152000xi32, #tpu.memory_space<hbm>>, %arg4: memref<1152000x64xf32, #tpu.memory_space<hbm>>, %arg5: memref<3x600xi32, #tpu.memory_space<vmem>>, %arg6: memref<3x600x64xf32, #tpu.memory_space<vmem>>, %arg7: memref<!tpu.dma_semaphore, #tpu.memory_space<semaphore_mem>>, %arg8: memref<!tpu.dma_semaphore, #tpu.memory_space<semaphore_mem>>, %arg9: memref<!tpu.dma_semaphore, #tpu.memory_space<semaphore_mem>>, %arg10: memref<!tpu.dma_semaphore, #tpu.memory_space<semaphore_mem>>, %arg11: memref<!tpu.dma_semaphore, #tpu.memory_space<semaphore_mem>>, %arg12: memref<!tpu.dma_semaphore, #tpu.memory_space<semaphore_mem>>) attributes {dimension_semantics = [#tpu.dimension_semantics<core_parallel>, #tpu.dimension_semantics<subcore_parallel>], iteration_bounds = array<i64: 2, 16>, scalar_prefetch = 0 : i64, scratch_operands = 8 : i64, tpu.core_type = #tpu.core_type<sc_vector_subcore>, window_params = [{transform_indices = #map}, {transform_indices = #map1}, {transform_indices = #map}]} {
    %mul3A = arith.constant 2 : i32
    %mul3A_0 = arith.muli %arg1, %mul3A : i32
    %add3A = arith.addi %mul3A_0, %arg0 : i32
    %mul3A_1 = arith.constant 36000 : i32
    %mul3A_2 = arith.muli %add3A, %mul3A_1 : i32
    %add3A_3 = arith.constant 0 : i32
    %add3A_4 = arith.addi %mul3A_2, %add3A_3 : i32
    %run_scoped3A = arith.constant 0 : i32
    "tpu.region"() ({
      %run_scoped3A_329 = tpu.sem_alloc : memref<!tpu.dma_semaphore, #tpu.memory_space<semaphore_mem>>
      %dma_start3A_330 = arith.constant 0 : i32
      %dma_start3A_331 = tpu.memref_slice %arg5[%run_scoped3A, %dma_start3A_330] : memref<3x600xi32, #tpu.memory_space<vmem>> -> memref<1x600xi32, #tpu.memory_space<vmem>>
      %dma_start3A_332 = tpu.memref_squeeze %dma_start3A_331 : memref<1x600xi32, #tpu.memory_space<vmem>> -> memref<600xi32, #tpu.memory_space<vmem>>
      %dma_start3A_333 = tpu.memref_slice %arg3[%add3A_4] : memref<1152000xi32, #tpu.memory_space<hbm>> -> memref<600xi32, #tpu.memory_space<hbm>>
      %dma_start3A_334 = arith.constant 0 : i32
      %dma_start3A_335 = tpu.memref_slice %arg5[%run_scoped3A, %dma_start3A_334] : memref<3x600xi32, #tpu.memory_space<vmem>> -> memref<1x600xi32, #tpu.memory_space<vmem>>
      %dma_start3A_336 = tpu.memref_squeeze %dma_start3A_335 : memref<1x600xi32, #tpu.memory_space<vmem>> -> memref<600xi32, #tpu.memory_space<vmem>>
      %dma_start3A_337 = tpu.memref_slice %arg3[%add3A_4] : memref<1152000xi32, #tpu.memory_space<hbm>> -> memref<600xi32, #tpu.memory_space<hbm>>
      tpu.enqueue_dma source(%dma_start3A_337 : memref<600xi32, #tpu.memory_space<hbm>>) target(%dma_start3A_336 : memref<600xi32, #tpu.memory_space<vmem>>) target_semaphore(%run_scoped3A_329 : memref<!tpu.dma_semaphore, #tpu.memory_space<semaphore_mem>>)
      %dma_wait3A_338 = arith.constant 0 : i32
      %dma_wait3A_339 = tpu.memref_slice %arg5[%run_scoped3A, %dma_wait3A_338] : memref<3x600xi32, #tpu.memory_space<vmem>> -> memref<1x600xi32, #tpu.memory_space<vmem>>
      %dma_wait3A_340 = tpu.memref_squeeze %dma_wait3A_339 : memref<1x600xi32, #tpu.memory_space<vmem>> -> memref<600xi32, #tpu.memory_space<vmem>>
      %dma_wait3A_341 = tpu.memref_slice %arg3[%add3A_4] : memref<1152000xi32, #tpu.memory_space<hbm>> -> memref<600xi32, #tpu.memory_space<hbm>>
      %dma_wait3A_342 = arith.constant 0 : i32
      %dma_wait3A_343 = tpu.memref_slice %arg5[%run_scoped3A, %dma_wait3A_342] : memref<3x600xi32, #tpu.memory_space<vmem>> -> memref<1x600xi32, #tpu.memory_space<vmem>>
      %dma_wait3A_344 = tpu.memref_squeeze %dma_wait3A_343 : memref<1x600xi32, #tpu.memory_space<vmem>> -> memref<600xi32, #tpu.memory_space<vmem>>
      %dma_wait3A_345 = tpu.memref_slice %arg3[%add3A_4] : memref<1152000xi32, #tpu.memory_space<hbm>> -> memref<600xi32, #tpu.memory_space<hbm>>
      tpu.wait_dma2 semaphore(%run_scoped3A_329 : memref<!tpu.dma_semaphore, #tpu.memory_space<semaphore_mem>>) src(%dma_wait3A_345 : memref<600xi32, #tpu.memory_space<hbm>>) dst(%dma_wait3A_344 : memref<600xi32, #tpu.memory_space<vmem>>)
      tpu.yield
    }) : () -> ()
    %dma_start3A = arith.constant 0 : i32
    %dma_start3A_5 = arith.constant 0 : i32
    %dma_start3A_6 = arith.constant 0 : i32
    %dma_start3A_7 = arith.constant 0 : i32
    %dma_start3A_8 = tpu.memref_slice %arg6[%dma_start3A_5, %dma_start3A_6, %dma_start3A_7] : memref<3x600x64xf32, #tpu.memory_space<vmem>> -> memref<1x120x64xf32, #tpu.memory_space<vmem>>
    %dma_start3A_9 = tpu.memref_squeeze %dma_start3A_8 : memref<1x120x64xf32, #tpu.memory_space<vmem>> -> memref<120x64xf32, #tpu.memory_space<vmem>>
    %dma_start3A_10 = arith.constant 0 : i32
    %dma_start3A_11 = tpu.memref_slice %arg5[%dma_start3A, %dma_start3A_10] : memref<3x600xi32, #tpu.memory_space<vmem>> -> memref<1x120xi32, #tpu.memory_space<vmem>>
    %dma_start3A_12 = tpu.memref_squeeze %dma_start3A_11 : memref<1x120xi32, #tpu.memory_space<vmem>> -> memref<120xi32, #tpu.memory_space<vmem>>
    %dma_start3A_13 = arith.constant 0 : i32
    %dma_start3A_14 = arith.constant 0 : i32
    %dma_start3A_15 = tpu.memref_slice %arg2[%dma_start3A_13, %dma_start3A_14] : memref<99000x64xf32, #tpu.memory_space<hbm>> -> memref<99000x64xf32, #tpu.memory_space<hbm>>
    tpu.enqueue_indirect_dma source(%dma_start3A_15 : memref<99000x64xf32, #tpu.memory_space<hbm>>) target(%dma_start3A_9 : memref<120x64xf32, #tpu.memory_space<vmem>>) offsets(%dma_start3A_12 : memref<120xi32, #tpu.memory_space<vmem>>) semaphore(%arg7 : memref<!tpu.dma_semaphore, #tpu.memory_space<semaphore_mem>>)
    %dma_start3A_16 = arith.constant 0 : i32
    %dma_start3A_17 = arith.constant 0 : i32
    %dma_start3A_18 = arith.constant 120 : i32
    %dma_start3A_19 = arith.constant 0 : i32
    %dma_start3A_20 = tpu.memref_slice %arg6[%dma_start3A_17, %dma_start3A_18, %dma_start3A_19] : memref<3x600x64xf32, #tpu.memory_space<vmem>> -> memref<1x120x64xf32, #tpu.memory_space<vmem>>
    %dma_start3A_21 = tpu.memref_squeeze %dma_start3A_20 : memref<1x120x64xf32, #tpu.memory_space<vmem>> -> memref<120x64xf32, #tpu.memory_space<vmem>>
    %dma_start3A_22 = arith.constant 120 : i32
    %dma_start3A_23 = tpu.memref_slice %arg5[%dma_start3A_16, %dma_start3A_22] : memref<3x600xi32, #tpu.memory_space<vmem>> -> memref<1x120xi32, #tpu.memory_space<vmem>>
    %dma_start3A_24 = tpu.memref_squeeze %dma_start3A_23 : memref<1x120xi32, #tpu.memory_space<vmem>> -> memref<120xi32, #tpu.memory_space<vmem>>
    %dma_start3A_25 = arith.constant 0 : i32
    %dma_start3A_26 = arith.constant 0 : i32
    %dma_start3A_27 = tpu.memref_slice %arg2[%dma_start3A_25, %dma_start3A_26] : memref<99000x64xf32, #tpu.memory_space<hbm>> -> memref<99000x64xf32, #tpu.memory_space<hbm>>
    tpu.enqueue_indirect_dma source(%dma_start3A_27 : memref<99000x64xf32, #tpu.memory_space<hbm>>) target(%dma_start3A_21 : memref<120x64xf32, #tpu.memory_space<vmem>>) offsets(%dma_start3A_24 : memref<120xi32, #tpu.memory_space<vmem>>) semaphore(%arg7 : memref<!tpu.dma_semaphore, #tpu.memory_space<semaphore_mem>>)
    %dma_start3A_28 = arith.constant 0 : i32
    %dma_start3A_29 = arith.constant 0 : i32
    %dma_start3A_30 = arith.constant 240 : i32
    %dma_start3A_31 = arith.constant 0 : i32
    %dma_start3A_32 = tpu.memref_slice %arg6[%dma_start3A_29, %dma_start3A_30, %dma_start3A_31] : memref<3x600x64xf32, #tpu.memory_space<vmem>> -> memref<1x120x64xf32, #tpu.memory_space<vmem>>
    %dma_start3A_33 = tpu.memref_squeeze %dma_start3A_32 : memref<1x120x64xf32, #tpu.memory_space<vmem>> -> memref<120x64xf32, #tpu.memory_space<vmem>>
    %dma_start3A_34 = arith.constant 240 : i32
    %dma_start3A_35 = tpu.memref_slice %arg5[%dma_start3A_28, %dma_start3A_34] : memref<3x600xi32, #tpu.memory_space<vmem>> -> memref<1x120xi32, #tpu.memory_space<vmem>>
    %dma_start3A_36 = tpu.memref_squeeze %dma_start3A_35 : memref<1x120xi32, #tpu.memory_space<vmem>> -> memref<120xi32, #tpu.memory_space<vmem>>
    %dma_start3A_37 = arith.constant 0 : i32
    %dma_start3A_38 = arith.constant 0 : i32
    %dma_start3A_39 = tpu.memref_slice %arg2[%dma_start3A_37, %dma_start3A_38] : memref<99000x64xf32, #tpu.memory_space<hbm>> -> memref<99000x64xf32, #tpu.memory_space<hbm>>
    tpu.enqueue_indirect_dma source(%dma_start3A_39 : memref<99000x64xf32, #tpu.memory_space<hbm>>) target(%dma_start3A_33 : memref<120x64xf32, #tpu.memory_space<vmem>>) offsets(%dma_start3A_36 : memref<120xi32, #tpu.memory_space<vmem>>) semaphore(%arg7 : memref<!tpu.dma_semaphore, #tpu.memory_space<semaphore_mem>>)
    %dma_start3A_40 = arith.constant 0 : i32
    %dma_start3A_41 = arith.constant 0 : i32
    %dma_start3A_42 = arith.constant 360 : i32
    %dma_start3A_43 = arith.constant 0 : i32
    %dma_start3A_44 = tpu.memref_slice %arg6[%dma_start3A_41, %dma_start3A_42, %dma_start3A_43] : memref<3x600x64xf32, #tpu.memory_space<vmem>> -> memref<1x120x64xf32, #tpu.memory_space<vmem>>
    %dma_start3A_45 = tpu.memref_squeeze %dma_start3A_44 : memref<1x120x64xf32, #tpu.memory_space<vmem>> -> memref<120x64xf32, #tpu.memory_space<vmem>>
    %dma_start3A_46 = arith.constant 360 : i32
    %dma_start3A_47 = tpu.memref_slice %arg5[%dma_start3A_40, %dma_start3A_46] : memref<3x600xi32, #tpu.memory_space<vmem>> -> memref<1x120xi32, #tpu.memory_space<vmem>>
    %dma_start3A_48 = tpu.memref_squeeze %dma_start3A_47 : memref<1x120xi32, #tpu.memory_space<vmem>> -> memref<120xi32, #tpu.memory_space<vmem>>
    %dma_start3A_49 = arith.constant 0 : i32
    %dma_start3A_50 = arith.constant 0 : i32
    %dma_start3A_51 = tpu.memref_slice %arg2[%dma_start3A_49, %dma_start3A_50] : memref<99000x64xf32, #tpu.memory_space<hbm>> -> memref<99000x64xf32, #tpu.memory_space<hbm>>
    tpu.enqueue_indirect_dma source(%dma_start3A_51 : memref<99000x64xf32, #tpu.memory_space<hbm>>) target(%dma_start3A_45 : memref<120x64xf32, #tpu.memory_space<vmem>>) offsets(%dma_start3A_48 : memref<120xi32, #tpu.memory_space<vmem>>) semaphore(%arg7 : memref<!tpu.dma_semaphore, #tpu.memory_space<semaphore_mem>>)
    %dma_start3A_52 = arith.constant 0 : i32
    %dma_start3A_53 = arith.constant 0 : i32
    %dma_start3A_54 = arith.constant 480 : i32
    %dma_start3A_55 = arith.constant 0 : i32
    %dma_start3A_56 = tpu.memref_slice %arg6[%dma_start3A_53, %dma_start3A_54, %dma_start3A_55] : memref<3x600x64xf32, #tpu.memory_space<vmem>> -> memref<1x120x64xf32, #tpu.memory_space<vmem>>
    %dma_start3A_57 = tpu.memref_squeeze %dma_start3A_56 : memref<1x120x64xf32, #tpu.memory_space<vmem>> -> memref<120x64xf32, #tpu.memory_space<vmem>>
    %dma_start3A_58 = arith.constant 480 : i32
    %dma_start3A_59 = tpu.memref_slice %arg5[%dma_start3A_52, %dma_start3A_58] : memref<3x600xi32, #tpu.memory_space<vmem>> -> memref<1x120xi32, #tpu.memory_space<vmem>>
    %dma_start3A_60 = tpu.memref_squeeze %dma_start3A_59 : memref<1x120xi32, #tpu.memory_space<vmem>> -> memref<120xi32, #tpu.memory_space<vmem>>
    %dma_start3A_61 = arith.constant 0 : i32
    %dma_start3A_62 = arith.constant 0 : i32
    %dma_start3A_63 = tpu.memref_slice %arg2[%dma_start3A_61, %dma_start3A_62] : memref<99000x64xf32, #tpu.memory_space<hbm>> -> memref<99000x64xf32, #tpu.memory_space<hbm>>
    tpu.enqueue_indirect_dma source(%dma_start3A_63 : memref<99000x64xf32, #tpu.memory_space<hbm>>) target(%dma_start3A_57 : memref<120x64xf32, #tpu.memory_space<vmem>>) offsets(%dma_start3A_60 : memref<120xi32, #tpu.memory_space<vmem>>) semaphore(%arg7 : memref<!tpu.dma_semaphore, #tpu.memory_space<semaphore_mem>>)
    %add3A_64 = arith.constant 600 : i32
    %add3A_65 = arith.addi %mul3A_2, %add3A_64 : i32
    %run_scoped3A_66 = arith.constant 1 : i32
    "tpu.region"() ({
      %run_scoped3A_329 = tpu.sem_alloc : memref<!tpu.dma_semaphore, #tpu.memory_space<semaphore_mem>>
      %dma_start3A_330 = arith.constant 0 : i32
      %dma_start3A_331 = tpu.memref_slice %arg5[%run_scoped3A_66, %dma_start3A_330] : memref<3x600xi32, #tpu.memory_space<vmem>> -> memref<1x600xi32, #tpu.memory_space<vmem>>
      %dma_start3A_332 = tpu.memref_squeeze %dma_start3A_331 : memref<1x600xi32, #tpu.memory_space<vmem>> -> memref<600xi32, #tpu.memory_space<vmem>>
      %dma_start3A_333 = tpu.memref_slice %arg3[%add3A_65] : memref<1152000xi32, #tpu.memory_space<hbm>> -> memref<600xi32, #tpu.memory_space<hbm>>
      %dma_start3A_334 = arith.constant 0 : i32
      %dma_start3A_335 = tpu.memref_slice %arg5[%run_scoped3A_66, %dma_start3A_334] : memref<3x600xi32, #tpu.memory_space<vmem>> -> memref<1x600xi32, #tpu.memory_space<vmem>>
      %dma_start3A_336 = tpu.memref_squeeze %dma_start3A_335 : memref<1x600xi32, #tpu.memory_space<vmem>> -> memref<600xi32, #tpu.memory_space<vmem>>
      %dma_start3A_337 = tpu.memref_slice %arg3[%add3A_65] : memref<1152000xi32, #tpu.memory_space<hbm>> -> memref<600xi32, #tpu.memory_space<hbm>>
      tpu.enqueue_dma source(%dma_start3A_337 : memref<600xi32, #tpu.memory_space<hbm>>) target(%dma_start3A_336 : memref<600xi32, #tpu.memory_space<vmem>>) target_semaphore(%run_scoped3A_329 : memref<!tpu.dma_semaphore, #tpu.memory_space<semaphore_mem>>)
      %dma_wait3A_338 = arith.constant 0 : i32
      %dma_wait3A_339 = tpu.memref_slice %arg5[%run_scoped3A_66, %dma_wait3A_338] : memref<3x600xi32, #tpu.memory_space<vmem>> -> memref<1x600xi32, #tpu.memory_space<vmem>>
      %dma_wait3A_340 = tpu.memref_squeeze %dma_wait3A_339 : memref<1x600xi32, #tpu.memory_space<vmem>> -> memref<600xi32, #tpu.memory_space<vmem>>
      %dma_wait3A_341 = tpu.memref_slice %arg3[%add3A_65] : memref<1152000xi32, #tpu.memory_space<hbm>> -> memref<600xi32, #tpu.memory_space<hbm>>
      %dma_wait3A_342 = arith.constant 0 : i32
      %dma_wait3A_343 = tpu.memref_slice %arg5[%run_scoped3A_66, %dma_wait3A_342] : memref<3x600xi32, #tpu.memory_space<vmem>> -> memref<1x600xi32, #tpu.memory_space<vmem>>
      %dma_wait3A_344 = tpu.memref_squeeze %dma_wait3A_343 : memref<1x600xi32, #tpu.memory_space<vmem>> -> memref<600xi32, #tpu.memory_space<vmem>>
      %dma_wait3A_345 = tpu.memref_slice %arg3[%add3A_65] : memref<1152000xi32, #tpu.memory_space<hbm>> -> memref<600xi32, #tpu.memory_space<hbm>>
      tpu.wait_dma2 semaphore(%run_scoped3A_329 : memref<!tpu.dma_semaphore, #tpu.memory_space<semaphore_mem>>) src(%dma_wait3A_345 : memref<600xi32, #tpu.memory_space<hbm>>) dst(%dma_wait3A_344 : memref<600xi32, #tpu.memory_space<vmem>>)
      tpu.yield
    }) : () -> ()
    %dma_start3A_67 = arith.constant 1 : i32
    %dma_start3A_68 = arith.constant 1 : i32
    %dma_start3A_69 = arith.constant 0 : i32
    %dma_start3A_70 = arith.constant 0 : i32
    %dma_start3A_71 = tpu.memref_slice %arg6[%dma_start3A_68, %dma_start3A_69, %dma_start3A_70] : memref<3x600x64xf32, #tpu.memory_space<vmem>> -> memref<1x120x64xf32, #tpu.memory_space<vmem>>
    %dma_start3A_72 = tpu.memref_squeeze %dma_start3A_71 : memref<1x120x64xf32, #tpu.memory_space<vmem>> -> memref<120x64xf32, #tpu.memory_space<vmem>>
    %dma_start3A_73 = arith.constant 0 : i32
    %dma_start3A_74 = tpu.memref_slice %arg5[%dma_start3A_67, %dma_start3A_73] : memref<3x600xi32, #tpu.memory_space<vmem>> -> memref<1x120xi32, #tpu.memory_space<vmem>>
    %dma_start3A_75 = tpu.memref_squeeze %dma_start3A_74 : memref<1x120xi32, #tpu.memory_space<vmem>> -> memref<120xi32, #tpu.memory_space<vmem>>
    %dma_start3A_76 = arith.constant 0 : i32
    %dma_start3A_77 = arith.constant 0 : i32
    %dma_start3A_78 = tpu.memref_slice %arg2[%dma_start3A_76, %dma_start3A_77] : memref<99000x64xf32, #tpu.memory_space<hbm>> -> memref<99000x64xf32, #tpu.memory_space<hbm>>
    tpu.enqueue_indirect_dma source(%dma_start3A_78 : memref<99000x64xf32, #tpu.memory_space<hbm>>) target(%dma_start3A_72 : memref<120x64xf32, #tpu.memory_space<vmem>>) offsets(%dma_start3A_75 : memref<120xi32, #tpu.memory_space<vmem>>) semaphore(%arg8 : memref<!tpu.dma_semaphore, #tpu.memory_space<semaphore_mem>>)
    %dma_start3A_79 = arith.constant 1 : i32
    %dma_start3A_80 = arith.constant 1 : i32
    %dma_start3A_81 = arith.constant 120 : i32
    %dma_start3A_82 = arith.constant 0 : i32
    %dma_start3A_83 = tpu.memref_slice %arg6[%dma_start3A_80, %dma_start3A_81, %dma_start3A_82] : memref<3x600x64xf32, #tpu.memory_space<vmem>> -> memref<1x120x64xf32, #tpu.memory_space<vmem>>
    %dma_start3A_84 = tpu.memref_squeeze %dma_start3A_83 : memref<1x120x64xf32, #tpu.memory_space<vmem>> -> memref<120x64xf32, #tpu.memory_space<vmem>>
    %dma_start3A_85 = arith.constant 120 : i32
    %dma_start3A_86 = tpu.memref_slice %arg5[%dma_start3A_79, %dma_start3A_85] : memref<3x600xi32, #tpu.memory_space<vmem>> -> memref<1x120xi32, #tpu.memory_space<vmem>>
    %dma_start3A_87 = tpu.memref_squeeze %dma_start3A_86 : memref<1x120xi32, #tpu.memory_space<vmem>> -> memref<120xi32, #tpu.memory_space<vmem>>
    %dma_start3A_88 = arith.constant 0 : i32
    %dma_start3A_89 = arith.constant 0 : i32
    %dma_start3A_90 = tpu.memref_slice %arg2[%dma_start3A_88, %dma_start3A_89] : memref<99000x64xf32, #tpu.memory_space<hbm>> -> memref<99000x64xf32, #tpu.memory_space<hbm>>
    tpu.enqueue_indirect_dma source(%dma_start3A_90 : memref<99000x64xf32, #tpu.memory_space<hbm>>) target(%dma_start3A_84 : memref<120x64xf32, #tpu.memory_space<vmem>>) offsets(%dma_start3A_87 : memref<120xi32, #tpu.memory_space<vmem>>) semaphore(%arg8 : memref<!tpu.dma_semaphore, #tpu.memory_space<semaphore_mem>>)
    %dma_start3A_91 = arith.constant 1 : i32
    %dma_start3A_92 = arith.constant 1 : i32
    %dma_start3A_93 = arith.constant 240 : i32
    %dma_start3A_94 = arith.constant 0 : i32
    %dma_start3A_95 = tpu.memref_slice %arg6[%dma_start3A_92, %dma_start3A_93, %dma_start3A_94] : memref<3x600x64xf32, #tpu.memory_space<vmem>> -> memref<1x120x64xf32, #tpu.memory_space<vmem>>
    %dma_start3A_96 = tpu.memref_squeeze %dma_start3A_95 : memref<1x120x64xf32, #tpu.memory_space<vmem>> -> memref<120x64xf32, #tpu.memory_space<vmem>>
    %dma_start3A_97 = arith.constant 240 : i32
    %dma_start3A_98 = tpu.memref_slice %arg5[%dma_start3A_91, %dma_start3A_97] : memref<3x600xi32, #tpu.memory_space<vmem>> -> memref<1x120xi32, #tpu.memory_space<vmem>>
    %dma_start3A_99 = tpu.memref_squeeze %dma_start3A_98 : memref<1x120xi32, #tpu.memory_space<vmem>> -> memref<120xi32, #tpu.memory_space<vmem>>
    %dma_start3A_100 = arith.constant 0 : i32
    %dma_start3A_101 = arith.constant 0 : i32
    %dma_start3A_102 = tpu.memref_slice %arg2[%dma_start3A_100, %dma_start3A_101] : memref<99000x64xf32, #tpu.memory_space<hbm>> -> memref<99000x64xf32, #tpu.memory_space<hbm>>
    tpu.enqueue_indirect_dma source(%dma_start3A_102 : memref<99000x64xf32, #tpu.memory_space<hbm>>) target(%dma_start3A_96 : memref<120x64xf32, #tpu.memory_space<vmem>>) offsets(%dma_start3A_99 : memref<120xi32, #tpu.memory_space<vmem>>) semaphore(%arg8 : memref<!tpu.dma_semaphore, #tpu.memory_space<semaphore_mem>>)
    %dma_start3A_103 = arith.constant 1 : i32
    %dma_start3A_104 = arith.constant 1 : i32
    %dma_start3A_105 = arith.constant 360 : i32
    %dma_start3A_106 = arith.constant 0 : i32
    %dma_start3A_107 = tpu.memref_slice %arg6[%dma_start3A_104, %dma_start3A_105, %dma_start3A_106] : memref<3x600x64xf32, #tpu.memory_space<vmem>> -> memref<1x120x64xf32, #tpu.memory_space<vmem>>
    %dma_start3A_108 = tpu.memref_squeeze %dma_start3A_107 : memref<1x120x64xf32, #tpu.memory_space<vmem>> -> memref<120x64xf32, #tpu.memory_space<vmem>>
    %dma_start3A_109 = arith.constant 360 : i32
    %dma_start3A_110 = tpu.memref_slice %arg5[%dma_start3A_103, %dma_start3A_109] : memref<3x600xi32, #tpu.memory_space<vmem>> -> memref<1x120xi32, #tpu.memory_space<vmem>>
    %dma_start3A_111 = tpu.memref_squeeze %dma_start3A_110 : memref<1x120xi32, #tpu.memory_space<vmem>> -> memref<120xi32, #tpu.memory_space<vmem>>
    %dma_start3A_112 = arith.constant 0 : i32
    %dma_start3A_113 = arith.constant 0 : i32
    %dma_start3A_114 = tpu.memref_slice %arg2[%dma_start3A_112, %dma_start3A_113] : memref<99000x64xf32, #tpu.memory_space<hbm>> -> memref<99000x64xf32, #tpu.memory_space<hbm>>
    tpu.enqueue_indirect_dma source(%dma_start3A_114 : memref<99000x64xf32, #tpu.memory_space<hbm>>) target(%dma_start3A_108 : memref<120x64xf32, #tpu.memory_space<vmem>>) offsets(%dma_start3A_111 : memref<120xi32, #tpu.memory_space<vmem>>) semaphore(%arg8 : memref<!tpu.dma_semaphore, #tpu.memory_space<semaphore_mem>>)
    %dma_start3A_115 = arith.constant 1 : i32
    %dma_start3A_116 = arith.constant 1 : i32
    %dma_start3A_117 = arith.constant 480 : i32
    %dma_start3A_118 = arith.constant 0 : i32
    %dma_start3A_119 = tpu.memref_slice %arg6[%dma_start3A_116, %dma_start3A_117, %dma_start3A_118] : memref<3x600x64xf32, #tpu.memory_space<vmem>> -> memref<1x120x64xf32, #tpu.memory_space<vmem>>
    %dma_start3A_120 = tpu.memref_squeeze %dma_start3A_119 : memref<1x120x64xf32, #tpu.memory_space<vmem>> -> memref<120x64xf32, #tpu.memory_space<vmem>>
    %dma_start3A_121 = arith.constant 480 : i32
    %dma_start3A_122 = tpu.memref_slice %arg5[%dma_start3A_115, %dma_start3A_121] : memref<3x600xi32, #tpu.memory_space<vmem>> -> memref<1x120xi32, #tpu.memory_space<vmem>>
    %dma_start3A_123 = tpu.memref_squeeze %dma_start3A_122 : memref<1x120xi32, #tpu.memory_space<vmem>> -> memref<120xi32, #tpu.memory_space<vmem>>
    %dma_start3A_124 = arith.constant 0 : i32
    %dma_start3A_125 = arith.constant 0 : i32
    %dma_start3A_126 = tpu.memref_slice %arg2[%dma_start3A_124, %dma_start3A_125] : memref<99000x64xf32, #tpu.memory_space<hbm>> -> memref<99000x64xf32, #tpu.memory_space<hbm>>
    tpu.enqueue_indirect_dma source(%dma_start3A_126 : memref<99000x64xf32, #tpu.memory_space<hbm>>) target(%dma_start3A_120 : memref<120x64xf32, #tpu.memory_space<vmem>>) offsets(%dma_start3A_123 : memref<120xi32, #tpu.memory_space<vmem>>) semaphore(%arg8 : memref<!tpu.dma_semaphore, #tpu.memory_space<semaphore_mem>>)
    %dma_wait3A = arith.constant 0 : i32
    %dma_wait3A_127 = arith.constant 0 : i32
    %dma_wait3A_128 = arith.constant 0 : i32
    %dma_wait3A_129 = tpu.memref_slice %arg6[%dma_wait3A, %dma_wait3A_127, %dma_wait3A_128] : memref<3x600x64xf32, #tpu.memory_space<vmem>> -> memref<1x600x64xf32, #tpu.memory_space<vmem>>
    %dma_wait3A_130 = tpu.memref_squeeze %dma_wait3A_129 : memref<1x600x64xf32, #tpu.memory_space<vmem>> -> memref<600x64xf32, #tpu.memory_space<vmem>>
    %dma_wait3A_131 = arith.constant 0 : i32
    %dma_wait3A_132 = arith.constant 0 : i32
    %dma_wait3A_133 = tpu.memref_slice %arg4[%dma_wait3A_131, %dma_wait3A_132] : memref<1152000x64xf32, #tpu.memory_space<hbm>> -> memref<600x64xf32, #tpu.memory_space<hbm>>
    %dma_wait3A_134 = arith.constant 0 : i32
    %dma_wait3A_135 = arith.constant 0 : i32
    %dma_wait3A_136 = tpu.memref_slice %arg6[%dma_wait3A, %dma_wait3A_134, %dma_wait3A_135] : memref<3x600x64xf32, #tpu.memory_space<vmem>> -> memref<1x600x64xf32, #tpu.memory_space<vmem>>
    %dma_wait3A_137 = tpu.memref_squeeze %dma_wait3A_136 : memref<1x600x64xf32, #tpu.memory_space<vmem>> -> memref<600x64xf32, #tpu.memory_space<vmem>>
    %dma_wait3A_138 = arith.constant 0 : i32
    %dma_wait3A_139 = arith.constant 0 : i32
    %dma_wait3A_140 = tpu.memref_slice %arg4[%dma_wait3A_138, %dma_wait3A_139] : memref<1152000x64xf32, #tpu.memory_space<hbm>> -> memref<600x64xf32, #tpu.memory_space<hbm>>
    tpu.wait_dma2 semaphore(%arg7 : memref<!tpu.dma_semaphore, #tpu.memory_space<semaphore_mem>>) src(%dma_wait3A_140 : memref<600x64xf32, #tpu.memory_space<hbm>>) dst(%dma_wait3A_137 : memref<600x64xf32, #tpu.memory_space<vmem>>)
    %add3A_141 = arith.constant 0 : i32
    %add3A_142 = arith.addi %mul3A_2, %add3A_141 : i32
    %dma_start3A_143 = arith.constant 0 : i32
    %dma_start3A_144 = arith.constant 0 : i32
    %dma_start3A_145 = arith.constant 0 : i32
    %dma_start3A_146 = tpu.memref_slice %arg6[%dma_start3A_143, %dma_start3A_144, %dma_start3A_145] : memref<3x600x64xf32, #tpu.memory_space<vmem>> -> memref<1x600x64xf32, #tpu.memory_space<vmem>>
    %dma_start3A_147 = tpu.memref_squeeze %dma_start3A_146 : memref<1x600x64xf32, #tpu.memory_space<vmem>> -> memref<600x64xf32, #tpu.memory_space<vmem>>
    %dma_start3A_148 = arith.constant 0 : i32
    %dma_start3A_149 = tpu.memref_slice %arg4[%add3A_142, %dma_start3A_148] : memref<1152000x64xf32, #tpu.memory_space<hbm>> -> memref<600x64xf32, #tpu.memory_space<hbm>>
    %dma_start3A_150 = arith.constant 0 : i32
    %dma_start3A_151 = tpu.memref_slice %arg4[%add3A_142, %dma_start3A_150] : memref<1152000x64xf32, #tpu.memory_space<hbm>> -> memref<600x64xf32, #tpu.memory_space<hbm>>
    %dma_start3A_152 = arith.constant 0 : i32
    %dma_start3A_153 = arith.constant 0 : i32
    %dma_start3A_154 = tpu.memref_slice %arg6[%dma_start3A_143, %dma_start3A_152, %dma_start3A_153] : memref<3x600x64xf32, #tpu.memory_space<vmem>> -> memref<1x600x64xf32, #tpu.memory_space<vmem>>
    %dma_start3A_155 = tpu.memref_squeeze %dma_start3A_154 : memref<1x600x64xf32, #tpu.memory_space<vmem>> -> memref<600x64xf32, #tpu.memory_space<vmem>>
    tpu.enqueue_dma source(%dma_start3A_155 : memref<600x64xf32, #tpu.memory_space<vmem>>) target(%dma_start3A_151 : memref<600x64xf32, #tpu.memory_space<hbm>>) target_semaphore(%arg10 : memref<!tpu.dma_semaphore, #tpu.memory_space<semaphore_mem>>)
    %add3A_156 = arith.constant 1200 : i32
    %add3A_157 = arith.addi %mul3A_2, %add3A_156 : i32
    %run_scoped3A_158 = arith.constant 2 : i32
    "tpu.region"() ({
      %run_scoped3A_329 = tpu.sem_alloc : memref<!tpu.dma_semaphore, #tpu.memory_space<semaphore_mem>>
      %dma_start3A_330 = arith.constant 0 : i32
      %dma_start3A_331 = tpu.memref_slice %arg5[%run_scoped3A_158, %dma_start3A_330] : memref<3x600xi32, #tpu.memory_space<vmem>> -> memref<1x600xi32, #tpu.memory_space<vmem>>
      %dma_start3A_332 = tpu.memref_squeeze %dma_start3A_331 : memref<1x600xi32, #tpu.memory_space<vmem>> -> memref<600xi32, #tpu.memory_space<vmem>>
      %dma_start3A_333 = tpu.memref_slice %arg3[%add3A_157] : memref<1152000xi32, #tpu.memory_space<hbm>> -> memref<600xi32, #tpu.memory_space<hbm>>
      %dma_start3A_334 = arith.constant 0 : i32
      %dma_start3A_335 = tpu.memref_slice %arg5[%run_scoped3A_158, %dma_start3A_334] : memref<3x600xi32, #tpu.memory_space<vmem>> -> memref<1x600xi32, #tpu.memory_space<vmem>>
      %dma_start3A_336 = tpu.memref_squeeze %dma_start3A_335 : memref<1x600xi32, #tpu.memory_space<vmem>> -> memref<600xi32, #tpu.memory_space<vmem>>
      %dma_start3A_337 = tpu.memref_slice %arg3[%add3A_157] : memref<1152000xi32, #tpu.memory_space<hbm>> -> memref<600xi32, #tpu.memory_space<hbm>>
      tpu.enqueue_dma source(%dma_start3A_337 : memref<600xi32, #tpu.memory_space<hbm>>) target(%dma_start3A_336 : memref<600xi32, #tpu.memory_space<vmem>>) target_semaphore(%run_scoped3A_329 : memref<!tpu.dma_semaphore, #tpu.memory_space<semaphore_mem>>)
      %dma_wait3A_338 = arith.constant 0 : i32
      %dma_wait3A_339 = tpu.memref_slice %arg5[%run_scoped3A_158, %dma_wait3A_338] : memref<3x600xi32, #tpu.memory_space<vmem>> -> memref<1x600xi32, #tpu.memory_space<vmem>>
      %dma_wait3A_340 = tpu.memref_squeeze %dma_wait3A_339 : memref<1x600xi32, #tpu.memory_space<vmem>> -> memref<600xi32, #tpu.memory_space<vmem>>
      %dma_wait3A_341 = tpu.memref_slice %arg3[%add3A_157] : memref<1152000xi32, #tpu.memory_space<hbm>> -> memref<600xi32, #tpu.memory_space<hbm>>
      %dma_wait3A_342 = arith.constant 0 : i32
      %dma_wait3A_343 = tpu.memref_slice %arg5[%run_scoped3A_158, %dma_wait3A_342] : memref<3x600xi32, #tpu.memory_space<vmem>> -> memref<1x600xi32, #tpu.memory_space<vmem>>
      %dma_wait3A_344 = tpu.memref_squeeze %dma_wait3A_343 : memref<1x600xi32, #tpu.memory_space<vmem>> -> memref<600xi32, #tpu.memory_space<vmem>>
      %dma_wait3A_345 = tpu.memref_slice %arg3[%add3A_157] : memref<1152000xi32, #tpu.memory_space<hbm>> -> memref<600xi32, #tpu.memory_space<hbm>>
      tpu.wait_dma2 semaphore(%run_scoped3A_329 : memref<!tpu.dma_semaphore, #tpu.memory_space<semaphore_mem>>) src(%dma_wait3A_345 : memref<600xi32, #tpu.memory_space<hbm>>) dst(%dma_wait3A_344 : memref<600xi32, #tpu.memory_space<vmem>>)
      tpu.yield
    }) : () -> ()
    %dma_start3A_159 = arith.constant 2 : i32
    %dma_start3A_160 = arith.constant 2 : i32
    %dma_start3A_161 = arith.constant 0 : i32
    %dma_start3A_162 = arith.constant 0 : i32
    %dma_start3A_163 = tpu.memref_slice %arg6[%dma_start3A_160, %dma_start3A_161, %dma_start3A_162] : memref<3x600x64xf32, #tpu.memory_space<vmem>> -> memref<1x120x64xf32, #tpu.memory_space<vmem>>
    %dma_start3A_164 = tpu.memref_squeeze %dma_start3A_163 : memref<1x120x64xf32, #tpu.memory_space<vmem>> -> memref<120x64xf32, #tpu.memory_space<vmem>>
    %dma_start3A_165 = arith.constant 0 : i32
    %dma_start3A_166 = tpu.memref_slice %arg5[%dma_start3A_159, %dma_start3A_165] : memref<3x600xi32, #tpu.memory_space<vmem>> -> memref<1x120xi32, #tpu.memory_space<vmem>>
    %dma_start3A_167 = tpu.memref_squeeze %dma_start3A_166 : memref<1x120xi32, #tpu.memory_space<vmem>> -> memref<120xi32, #tpu.memory_space<vmem>>
    %dma_start3A_168 = arith.constant 0 : i32
    %dma_start3A_169 = arith.constant 0 : i32
    %dma_start3A_170 = tpu.memref_slice %arg2[%dma_start3A_168, %dma_start3A_169] : memref<99000x64xf32, #tpu.memory_space<hbm>> -> memref<99000x64xf32, #tpu.memory_space<hbm>>
    tpu.enqueue_indirect_dma source(%dma_start3A_170 : memref<99000x64xf32, #tpu.memory_space<hbm>>) target(%dma_start3A_164 : memref<120x64xf32, #tpu.memory_space<vmem>>) offsets(%dma_start3A_167 : memref<120xi32, #tpu.memory_space<vmem>>) semaphore(%arg9 : memref<!tpu.dma_semaphore, #tpu.memory_space<semaphore_mem>>)
    %dma_start3A_171 = arith.constant 2 : i32
    %dma_start3A_172 = arith.constant 2 : i32
    %dma_start3A_173 = arith.constant 120 : i32
    %dma_start3A_174 = arith.constant 0 : i32
    %dma_start3A_175 = tpu.memref_slice %arg6[%dma_start3A_172, %dma_start3A_173, %dma_start3A_174] : memref<3x600x64xf32, #tpu.memory_space<vmem>> -> memref<1x120x64xf32, #tpu.memory_space<vmem>>
    %dma_start3A_176 = tpu.memref_squeeze %dma_start3A_175 : memref<1x120x64xf32, #tpu.memory_space<vmem>> -> memref<120x64xf32, #tpu.memory_space<vmem>>
    %dma_start3A_177 = arith.constant 120 : i32
    %dma_start3A_178 = tpu.memref_slice %arg5[%dma_start3A_171, %dma_start3A_177] : memref<3x600xi32, #tpu.memory_space<vmem>> -> memref<1x120xi32, #tpu.memory_space<vmem>>
    %dma_start3A_179 = tpu.memref_squeeze %dma_start3A_178 : memref<1x120xi32, #tpu.memory_space<vmem>> -> memref<120xi32, #tpu.memory_space<vmem>>
    %dma_start3A_180 = arith.constant 0 : i32
    %dma_start3A_181 = arith.constant 0 : i32
    %dma_start3A_182 = tpu.memref_slice %arg2[%dma_start3A_180, %dma_start3A_181] : memref<99000x64xf32, #tpu.memory_space<hbm>> -> memref<99000x64xf32, #tpu.memory_space<hbm>>
    tpu.enqueue_indirect_dma source(%dma_start3A_182 : memref<99000x64xf32, #tpu.memory_space<hbm>>) target(%dma_start3A_176 : memref<120x64xf32, #tpu.memory_space<vmem>>) offsets(%dma_start3A_179 : memref<120xi32, #tpu.memory_space<vmem>>) semaphore(%arg9 : memref<!tpu.dma_semaphore, #tpu.memory_space<semaphore_mem>>)
    %dma_start3A_183 = arith.constant 2 : i32
    %dma_start3A_184 = arith.constant 2 : i32
    %dma_start3A_185 = arith.constant 240 : i32
    %dma_start3A_186 = arith.constant 0 : i32
    %dma_start3A_187 = tpu.memref_slice %arg6[%dma_start3A_184, %dma_start3A_185, %dma_start3A_186] : memref<3x600x64xf32, #tpu.memory_space<vmem>> -> memref<1x120x64xf32, #tpu.memory_space<vmem>>
    %dma_start3A_188 = tpu.memref_squeeze %dma_start3A_187 : memref<1x120x64xf32, #tpu.memory_space<vmem>> -> memref<120x64xf32, #tpu.memory_space<vmem>>
    %dma_start3A_189 = arith.constant 240 : i32
    %dma_start3A_190 = tpu.memref_slice %arg5[%dma_start3A_183, %dma_start3A_189] : memref<3x600xi32, #tpu.memory_space<vmem>> -> memref<1x120xi32, #tpu.memory_space<vmem>>
    %dma_start3A_191 = tpu.memref_squeeze %dma_start3A_190 : memref<1x120xi32, #tpu.memory_space<vmem>> -> memref<120xi32, #tpu.memory_space<vmem>>
    %dma_start3A_192 = arith.constant 0 : i32
    %dma_start3A_193 = arith.constant 0 : i32
    %dma_start3A_194 = tpu.memref_slice %arg2[%dma_start3A_192, %dma_start3A_193] : memref<99000x64xf32, #tpu.memory_space<hbm>> -> memref<99000x64xf32, #tpu.memory_space<hbm>>
    tpu.enqueue_indirect_dma source(%dma_start3A_194 : memref<99000x64xf32, #tpu.memory_space<hbm>>) target(%dma_start3A_188 : memref<120x64xf32, #tpu.memory_space<vmem>>) offsets(%dma_start3A_191 : memref<120xi32, #tpu.memory_space<vmem>>) semaphore(%arg9 : memref<!tpu.dma_semaphore, #tpu.memory_space<semaphore_mem>>)
    %dma_start3A_195 = arith.constant 2 : i32
    %dma_start3A_196 = arith.constant 2 : i32
    %dma_start3A_197 = arith.constant 360 : i32
    %dma_start3A_198 = arith.constant 0 : i32
    %dma_start3A_199 = tpu.memref_slice %arg6[%dma_start3A_196, %dma_start3A_197, %dma_start3A_198] : memref<3x600x64xf32, #tpu.memory_space<vmem>> -> memref<1x120x64xf32, #tpu.memory_space<vmem>>
    %dma_start3A_200 = tpu.memref_squeeze %dma_start3A_199 : memref<1x120x64xf32, #tpu.memory_space<vmem>> -> memref<120x64xf32, #tpu.memory_space<vmem>>
    %dma_start3A_201 = arith.constant 360 : i32
    %dma_start3A_202 = tpu.memref_slice %arg5[%dma_start3A_195, %dma_start3A_201] : memref<3x600xi32, #tpu.memory_space<vmem>> -> memref<1x120xi32, #tpu.memory_space<vmem>>
    %dma_start3A_203 = tpu.memref_squeeze %dma_start3A_202 : memref<1x120xi32, #tpu.memory_space<vmem>> -> memref<120xi32, #tpu.memory_space<vmem>>
    %dma_start3A_204 = arith.constant 0 : i32
    %dma_start3A_205 = arith.constant 0 : i32
    %dma_start3A_206 = tpu.memref_slice %arg2[%dma_start3A_204, %dma_start3A_205] : memref<99000x64xf32, #tpu.memory_space<hbm>> -> memref<99000x64xf32, #tpu.memory_space<hbm>>
    tpu.enqueue_indirect_dma source(%dma_start3A_206 : memref<99000x64xf32, #tpu.memory_space<hbm>>) target(%dma_start3A_200 : memref<120x64xf32, #tpu.memory_space<vmem>>) offsets(%dma_start3A_203 : memref<120xi32, #tpu.memory_space<vmem>>) semaphore(%arg9 : memref<!tpu.dma_semaphore, #tpu.memory_space<semaphore_mem>>)
    %dma_start3A_207 = arith.constant 2 : i32
    %dma_start3A_208 = arith.constant 2 : i32
    %dma_start3A_209 = arith.constant 480 : i32
    %dma_start3A_210 = arith.constant 0 : i32
    %dma_start3A_211 = tpu.memref_slice %arg6[%dma_start3A_208, %dma_start3A_209, %dma_start3A_210] : memref<3x600x64xf32, #tpu.memory_space<vmem>> -> memref<1x120x64xf32, #tpu.memory_space<vmem>>
    %dma_start3A_212 = tpu.memref_squeeze %dma_start3A_211 : memref<1x120x64xf32, #tpu.memory_space<vmem>> -> memref<120x64xf32, #tpu.memory_space<vmem>>
    %dma_start3A_213 = arith.constant 480 : i32
    %dma_start3A_214 = tpu.memref_slice %arg5[%dma_start3A_207, %dma_start3A_213] : memref<3x600xi32, #tpu.memory_space<vmem>> -> memref<1x120xi32, #tpu.memory_space<vmem>>
    %dma_start3A_215 = tpu.memref_squeeze %dma_start3A_214 : memref<1x120xi32, #tpu.memory_space<vmem>> -> memref<120xi32, #tpu.memory_space<vmem>>
    %dma_start3A_216 = arith.constant 0 : i32
    %dma_start3A_217 = arith.constant 0 : i32
    %dma_start3A_218 = tpu.memref_slice %arg2[%dma_start3A_216, %dma_start3A_217] : memref<99000x64xf32, #tpu.memory_space<hbm>> -> memref<99000x64xf32, #tpu.memory_space<hbm>>
    tpu.enqueue_indirect_dma source(%dma_start3A_218 : memref<99000x64xf32, #tpu.memory_space<hbm>>) target(%dma_start3A_212 : memref<120x64xf32, #tpu.memory_space<vmem>>) offsets(%dma_start3A_215 : memref<120xi32, #tpu.memory_space<vmem>>) semaphore(%arg9 : memref<!tpu.dma_semaphore, #tpu.memory_space<semaphore_mem>>)
    %scan3A = arith.constant 0 : i32
    %scan3A_219 = arith.constant 0 : i32
    %scan3A_220 = arith.constant 19 : i32
    %scan3A_221 = arith.addi %scan3A_219, %scan3A_220 : i32
    %scan3A_222 = arith.constant 1 : i32
    scf.for %scan3A_329 = %scan3A_219 to %scan3A_221 step %scan3A_222  : i32 {
      %mul3A_330 = arith.constant 3 : i32
      %mul3A_331 = arith.muli %mul3A_330, %scan3A_329 : i32
      %add3A_332 = arith.constant 1 : i32
      %add3A_333 = arith.addi %add3A_332, %mul3A_331 : i32
      %add3A_334 = arith.constant 0 : i32
      %add3A_335 = arith.addi %add3A_333, %add3A_334 : i32
      %dma_wait3A_336 = arith.constant 1 : i32
      %dma_wait3A_337 = arith.constant 0 : i32
      %dma_wait3A_338 = arith.constant 0 : i32
      %dma_wait3A_339 = tpu.memref_slice %arg6[%dma_wait3A_336, %dma_wait3A_337, %dma_wait3A_338] : memref<3x600x64xf32, #tpu.memory_space<vmem>> -> memref<1x600x64xf32, #tpu.memory_space<vmem>>
      %dma_wait3A_340 = tpu.memref_squeeze %dma_wait3A_339 : memref<1x600x64xf32, #tpu.memory_space<vmem>> -> memref<600x64xf32, #tpu.memory_space<vmem>>
      %dma_wait3A_341 = arith.constant 0 : i32
      %dma_wait3A_342 = arith.constant 0 : i32
      %dma_wait3A_343 = tpu.memref_slice %arg4[%dma_wait3A_341, %dma_wait3A_342] : memref<1152000x64xf32, #tpu.memory_space<hbm>> -> memref<600x64xf32, #tpu.memory_space<hbm>>
      %dma_wait3A_344 = arith.constant 0 : i32
      %dma_wait3A_345 = arith.constant 0 : i32
      %dma_wait3A_346 = tpu.memref_slice %arg6[%dma_wait3A_336, %dma_wait3A_344, %dma_wait3A_345] : memref<3x600x64xf32, #tpu.memory_space<vmem>> -> memref<1x600x64xf32, #tpu.memory_space<vmem>>
      %dma_wait3A_347 = tpu.memref_squeeze %dma_wait3A_346 : memref<1x600x64xf32, #tpu.memory_space<vmem>> -> memref<600x64xf32, #tpu.memory_space<vmem>>
      %dma_wait3A_348 = arith.constant 0 : i32
      %dma_wait3A_349 = arith.constant 0 : i32
      %dma_wait3A_350 = tpu.memref_slice %arg4[%dma_wait3A_348, %dma_wait3A_349] : memref<1152000x64xf32, #tpu.memory_space<hbm>> -> memref<600x64xf32, #tpu.memory_space<hbm>>
      tpu.wait_dma2 semaphore(%arg8 : memref<!tpu.dma_semaphore, #tpu.memory_space<semaphore_mem>>) src(%dma_wait3A_350 : memref<600x64xf32, #tpu.memory_space<hbm>>) dst(%dma_wait3A_347 : memref<600x64xf32, #tpu.memory_space<vmem>>)
      %mul3A_351 = arith.constant 600 : i32
      %mul3A_352 = arith.muli %add3A_335, %mul3A_351 : i32
      %add3A_353 = arith.addi %mul3A_2, %mul3A_352 : i32
      %dma_start3A_354 = arith.constant 1 : i32
      %dma_start3A_355 = arith.constant 0 : i32
      %dma_start3A_356 = arith.constant 0 : i32
      %dma_start3A_357 = tpu.memref_slice %arg6[%dma_start3A_354, %dma_start3A_355, %dma_start3A_356] : memref<3x600x64xf32, #tpu.memory_space<vmem>> -> memref<1x600x64xf32, #tpu.memory_space<vmem>>
      %dma_start3A_358 = tpu.memref_squeeze %dma_start3A_357 : memref<1x600x64xf32, #tpu.memory_space<vmem>> -> memref<600x64xf32, #tpu.memory_space<vmem>>
      %dma_start3A_359 = arith.constant 0 : i32
      %dma_start3A_360 = tpu.memref_slice %arg4[%add3A_353, %dma_start3A_359] : memref<1152000x64xf32, #tpu.memory_space<hbm>> -> memref<600x64xf32, #tpu.memory_space<hbm>>
      %dma_start3A_361 = arith.constant 0 : i32
      %dma_start3A_362 = tpu.memref_slice %arg4[%add3A_353, %dma_start3A_361] : memref<1152000x64xf32, #tpu.memory_space<hbm>> -> memref<600x64xf32, #tpu.memory_space<hbm>>
      %dma_start3A_363 = arith.constant 0 : i32
      %dma_start3A_364 = arith.constant 0 : i32
      %dma_start3A_365 = tpu.memref_slice %arg6[%dma_start3A_354, %dma_start3A_363, %dma_start3A_364] : memref<3x600x64xf32, #tpu.memory_space<vmem>> -> memref<1x600x64xf32, #tpu.memory_space<vmem>>
      %dma_start3A_366 = tpu.memref_squeeze %dma_start3A_365 : memref<1x600x64xf32, #tpu.memory_space<vmem>> -> memref<600x64xf32, #tpu.memory_space<vmem>>
      tpu.enqueue_dma source(%dma_start3A_366 : memref<600x64xf32, #tpu.memory_space<vmem>>) target(%dma_start3A_362 : memref<600x64xf32, #tpu.memory_space<hbm>>) target_semaphore(%arg11 : memref<!tpu.dma_semaphore, #tpu.memory_space<semaphore_mem>>)
      %dma_wait3A_367 = arith.constant 0 : i32
      %dma_wait3A_368 = arith.constant 0 : i32
      %dma_wait3A_369 = arith.constant 0 : i32
      %dma_wait3A_370 = tpu.memref_slice %arg6[%dma_wait3A_367, %dma_wait3A_368, %dma_wait3A_369] : memref<3x600x64xf32, #tpu.memory_space<vmem>> -> memref<1x600x64xf32, #tpu.memory_space<vmem>>
      %dma_wait3A_371 = tpu.memref_squeeze %dma_wait3A_370 : memref<1x600x64xf32, #tpu.memory_space<vmem>> -> memref<600x64xf32, #tpu.memory_space<vmem>>
      %dma_wait3A_372 = arith.constant 0 : i32
      %dma_wait3A_373 = arith.constant 0 : i32
      %dma_wait3A_374 = tpu.memref_slice %arg4[%dma_wait3A_372, %dma_wait3A_373] : memref<1152000x64xf32, #tpu.memory_space<hbm>> -> memref<600x64xf32, #tpu.memory_space<hbm>>
      %dma_wait3A_375 = arith.constant 0 : i32
      %dma_wait3A_376 = arith.constant 0 : i32
      %dma_wait3A_377 = tpu.memref_slice %arg6[%dma_wait3A_367, %dma_wait3A_375, %dma_wait3A_376] : memref<3x600x64xf32, #tpu.memory_space<vmem>> -> memref<1x600x64xf32, #tpu.memory_space<vmem>>
      %dma_wait3A_378 = tpu.memref_squeeze %dma_wait3A_377 : memref<1x600x64xf32, #tpu.memory_space<vmem>> -> memref<600x64xf32, #tpu.memory_space<vmem>>
      %dma_wait3A_379 = arith.constant 0 : i32
      %dma_wait3A_380 = arith.constant 0 : i32
      %dma_wait3A_381 = tpu.memref_slice %arg4[%dma_wait3A_379, %dma_wait3A_380] : memref<1152000x64xf32, #tpu.memory_space<hbm>> -> memref<600x64xf32, #tpu.memory_space<hbm>>
      tpu.wait_dma2 semaphore(%arg10 : memref<!tpu.dma_semaphore, #tpu.memory_space<semaphore_mem>>) src(%dma_wait3A_381 : memref<600x64xf32, #tpu.memory_space<hbm>>) dst(%dma_wait3A_378 : memref<600x64xf32, #tpu.memory_space<vmem>>)
      %add3A_382 = arith.constant 2 : i32
      %add3A_383 = arith.addi %add3A_335, %add3A_382 : i32
      %mul3A_384 = arith.constant 600 : i32
      %mul3A_385 = arith.muli %add3A_383, %mul3A_384 : i32
      %add3A_386 = arith.addi %mul3A_2, %mul3A_385 : i32
      %run_scoped3A_387 = arith.constant 0 : i32
      "tpu.region"() ({
        %run_scoped3A_684 = tpu.sem_alloc : memref<!tpu.dma_semaphore, #tpu.memory_space<semaphore_mem>>
        %dma_start3A_685 = arith.constant 0 : i32
        %dma_start3A_686 = tpu.memref_slice %arg5[%run_scoped3A_387, %dma_start3A_685] : memref<3x600xi32, #tpu.memory_space<vmem>> -> memref<1x600xi32, #tpu.memory_space<vmem>>
        %dma_start3A_687 = tpu.memref_squeeze %dma_start3A_686 : memref<1x600xi32, #tpu.memory_space<vmem>> -> memref<600xi32, #tpu.memory_space<vmem>>
        %dma_start3A_688 = tpu.memref_slice %arg3[%add3A_386] : memref<1152000xi32, #tpu.memory_space<hbm>> -> memref<600xi32, #tpu.memory_space<hbm>>
        %dma_start3A_689 = arith.constant 0 : i32
        %dma_start3A_690 = tpu.memref_slice %arg5[%run_scoped3A_387, %dma_start3A_689] : memref<3x600xi32, #tpu.memory_space<vmem>> -> memref<1x600xi32, #tpu.memory_space<vmem>>
        %dma_start3A_691 = tpu.memref_squeeze %dma_start3A_690 : memref<1x600xi32, #tpu.memory_space<vmem>> -> memref<600xi32, #tpu.memory_space<vmem>>
        %dma_start3A_692 = tpu.memref_slice %arg3[%add3A_386] : memref<1152000xi32, #tpu.memory_space<hbm>> -> memref<600xi32, #tpu.memory_space<hbm>>
        tpu.enqueue_dma source(%dma_start3A_692 : memref<600xi32, #tpu.memory_space<hbm>>) target(%dma_start3A_691 : memref<600xi32, #tpu.memory_space<vmem>>) target_semaphore(%run_scoped3A_684 : memref<!tpu.dma_semaphore, #tpu.memory_space<semaphore_mem>>)
        %dma_wait3A_693 = arith.constant 0 : i32
        %dma_wait3A_694 = tpu.memref_slice %arg5[%run_scoped3A_387, %dma_wait3A_693] : memref<3x600xi32, #tpu.memory_space<vmem>> -> memref<1x600xi32, #tpu.memory_space<vmem>>
        %dma_wait3A_695 = tpu.memref_squeeze %dma_wait3A_694 : memref<1x600xi32, #tpu.memory_space<vmem>> -> memref<600xi32, #tpu.memory_space<vmem>>
        %dma_wait3A_696 = tpu.memref_slice %arg3[%add3A_386] : memref<1152000xi32, #tpu.memory_space<hbm>> -> memref<600xi32, #tpu.memory_space<hbm>>
        %dma_wait3A_697 = arith.constant 0 : i32
        %dma_wait3A_698 = tpu.memref_slice %arg5[%run_scoped3A_387, %dma_wait3A_697] : memref<3x600xi32, #tpu.memory_space<vmem>> -> memref<1x600xi32, #tpu.memory_space<vmem>>
        %dma_wait3A_699 = tpu.memref_squeeze %dma_wait3A_698 : memref<1x600xi32, #tpu.memory_space<vmem>> -> memref<600xi32, #tpu.memory_space<vmem>>
        %dma_wait3A_700 = tpu.memref_slice %arg3[%add3A_386] : memref<1152000xi32, #tpu.memory_space<hbm>> -> memref<600xi32, #tpu.memory_space<hbm>>
        tpu.wait_dma2 semaphore(%run_scoped3A_684 : memref<!tpu.dma_semaphore, #tpu.memory_space<semaphore_mem>>) src(%dma_wait3A_700 : memref<600xi32, #tpu.memory_space<hbm>>) dst(%dma_wait3A_699 : memref<600xi32, #tpu.memory_space<vmem>>)
        tpu.yield
      }) : () -> ()
      %dma_start3A_388 = arith.constant 0 : i32
      %dma_start3A_389 = arith.constant 0 : i32
      %dma_start3A_390 = arith.constant 0 : i32
      %dma_start3A_391 = arith.constant 0 : i32
      %dma_start3A_392 = tpu.memref_slice %arg6[%dma_start3A_389, %dma_start3A_390, %dma_start3A_391] : memref<3x600x64xf32, #tpu.memory_space<vmem>> -> memref<1x120x64xf32, #tpu.memory_space<vmem>>
      %dma_start3A_393 = tpu.memref_squeeze %dma_start3A_392 : memref<1x120x64xf32, #tpu.memory_space<vmem>> -> memref<120x64xf32, #tpu.memory_space<vmem>>
      %dma_start3A_394 = arith.constant 0 : i32
      %dma_start3A_395 = tpu.memref_slice %arg5[%dma_start3A_388, %dma_start3A_394] : memref<3x600xi32, #tpu.memory_space<vmem>> -> memref<1x120xi32, #tpu.memory_space<vmem>>
      %dma_start3A_396 = tpu.memref_squeeze %dma_start3A_395 : memref<1x120xi32, #tpu.memory_space<vmem>> -> memref<120xi32, #tpu.memory_space<vmem>>
      %dma_start3A_397 = arith.constant 0 : i32
      %dma_start3A_398 = arith.constant 0 : i32
      %dma_start3A_399 = tpu.memref_slice %arg2[%dma_start3A_397, %dma_start3A_398] : memref<99000x64xf32, #tpu.memory_space<hbm>> -> memref<99000x64xf32, #tpu.memory_space<hbm>>
      tpu.enqueue_indirect_dma source(%dma_start3A_399 : memref<99000x64xf32, #tpu.memory_space<hbm>>) target(%dma_start3A_393 : memref<120x64xf32, #tpu.memory_space<vmem>>) offsets(%dma_start3A_396 : memref<120xi32, #tpu.memory_space<vmem>>) semaphore(%arg7 : memref<!tpu.dma_semaphore, #tpu.memory_space<semaphore_mem>>)
      %dma_start3A_400 = arith.constant 0 : i32
      %dma_start3A_401 = arith.constant 0 : i32
      %dma_start3A_402 = arith.constant 120 : i32
      %dma_start3A_403 = arith.constant 0 : i32
      %dma_start3A_404 = tpu.memref_slice %arg6[%dma_start3A_401, %dma_start3A_402, %dma_start3A_403] : memref<3x600x64xf32, #tpu.memory_space<vmem>> -> memref<1x120x64xf32, #tpu.memory_space<vmem>>
      %dma_start3A_405 = tpu.memref_squeeze %dma_start3A_404 : memref<1x120x64xf32, #tpu.memory_space<vmem>> -> memref<120x64xf32, #tpu.memory_space<vmem>>
      %dma_start3A_406 = arith.constant 120 : i32
      %dma_start3A_407 = tpu.memref_slice %arg5[%dma_start3A_400, %dma_start3A_406] : memref<3x600xi32, #tpu.memory_space<vmem>> -> memref<1x120xi32, #tpu.memory_space<vmem>>
      %dma_start3A_408 = tpu.memref_squeeze %dma_start3A_407 : memref<1x120xi32, #tpu.memory_space<vmem>> -> memref<120xi32, #tpu.memory_space<vmem>>
      %dma_start3A_409 = arith.constant 0 : i32
      %dma_start3A_410 = arith.constant 0 : i32
      %dma_start3A_411 = tpu.memref_slice %arg2[%dma_start3A_409, %dma_start3A_410] : memref<99000x64xf32, #tpu.memory_space<hbm>> -> memref<99000x64xf32, #tpu.memory_space<hbm>>
      tpu.enqueue_indirect_dma source(%dma_start3A_411 : memref<99000x64xf32, #tpu.memory_space<hbm>>) target(%dma_start3A_405 : memref<120x64xf32, #tpu.memory_space<vmem>>) offsets(%dma_start3A_408 : memref<120xi32, #tpu.memory_space<vmem>>) semaphore(%arg7 : memref<!tpu.dma_semaphore, #tpu.memory_space<semaphore_mem>>)
      %dma_start3A_412 = arith.constant 0 : i32
      %dma_start3A_413 = arith.constant 0 : i32
      %dma_start3A_414 = arith.constant 240 : i32
      %dma_start3A_415 = arith.constant 0 : i32
      %dma_start3A_416 = tpu.memref_slice %arg6[%dma_start3A_413, %dma_start3A_414, %dma_start3A_415] : memref<3x600x64xf32, #tpu.memory_space<vmem>> -> memref<1x120x64xf32, #tpu.memory_space<vmem>>
      %dma_start3A_417 = tpu.memref_squeeze %dma_start3A_416 : memref<1x120x64xf32, #tpu.memory_space<vmem>> -> memref<120x64xf32, #tpu.memory_space<vmem>>
      %dma_start3A_418 = arith.constant 240 : i32
      %dma_start3A_419 = tpu.memref_slice %arg5[%dma_start3A_412, %dma_start3A_418] : memref<3x600xi32, #tpu.memory_space<vmem>> -> memref<1x120xi32, #tpu.memory_space<vmem>>
      %dma_start3A_420 = tpu.memref_squeeze %dma_start3A_419 : memref<1x120xi32, #tpu.memory_space<vmem>> -> memref<120xi32, #tpu.memory_space<vmem>>
      %dma_start3A_421 = arith.constant 0 : i32
      %dma_start3A_422 = arith.constant 0 : i32
      %dma_start3A_423 = tpu.memref_slice %arg2[%dma_start3A_421, %dma_start3A_422] : memref<99000x64xf32, #tpu.memory_space<hbm>> -> memref<99000x64xf32, #tpu.memory_space<hbm>>
      tpu.enqueue_indirect_dma source(%dma_start3A_423 : memref<99000x64xf32, #tpu.memory_space<hbm>>) target(%dma_start3A_417 : memref<120x64xf32, #tpu.memory_space<vmem>>) offsets(%dma_start3A_420 : memref<120xi32, #tpu.memory_space<vmem>>) semaphore(%arg7 : memref<!tpu.dma_semaphore, #tpu.memory_space<semaphore_mem>>)
      %dma_start3A_424 = arith.constant 0 : i32
      %dma_start3A_425 = arith.constant 0 : i32
      %dma_start3A_426 = arith.constant 360 : i32
      %dma_start3A_427 = arith.constant 0 : i32
      %dma_start3A_428 = tpu.memref_slice %arg6[%dma_start3A_425, %dma_start3A_426, %dma_start3A_427] : memref<3x600x64xf32, #tpu.memory_space<vmem>> -> memref<1x120x64xf32, #tpu.memory_space<vmem>>
      %dma_start3A_429 = tpu.memref_squeeze %dma_start3A_428 : memref<1x120x64xf32, #tpu.memory_space<vmem>> -> memref<120x64xf32, #tpu.memory_space<vmem>>
      %dma_start3A_430 = arith.constant 360 : i32
      %dma_start3A_431 = tpu.memref_slice %arg5[%dma_start3A_424, %dma_start3A_430] : memref<3x600xi32, #tpu.memory_space<vmem>> -> memref<1x120xi32, #tpu.memory_space<vmem>>
      %dma_start3A_432 = tpu.memref_squeeze %dma_start3A_431 : memref<1x120xi32, #tpu.memory_space<vmem>> -> memref<120xi32, #tpu.memory_space<vmem>>
      %dma_start3A_433 = arith.constant 0 : i32
      %dma_start3A_434 = arith.constant 0 : i32
      %dma_start3A_435 = tpu.memref_slice %arg2[%dma_start3A_433, %dma_start3A_434] : memref<99000x64xf32, #tpu.memory_space<hbm>> -> memref<99000x64xf32, #tpu.memory_space<hbm>>
      tpu.enqueue_indirect_dma source(%dma_start3A_435 : memref<99000x64xf32, #tpu.memory_space<hbm>>) target(%dma_start3A_429 : memref<120x64xf32, #tpu.memory_space<vmem>>) offsets(%dma_start3A_432 : memref<120xi32, #tpu.memory_space<vmem>>) semaphore(%arg7 : memref<!tpu.dma_semaphore, #tpu.memory_space<semaphore_mem>>)
      %dma_start3A_436 = arith.constant 0 : i32
      %dma_start3A_437 = arith.constant 0 : i32
      %dma_start3A_438 = arith.constant 480 : i32
      %dma_start3A_439 = arith.constant 0 : i32
      %dma_start3A_440 = tpu.memref_slice %arg6[%dma_start3A_437, %dma_start3A_438, %dma_start3A_439] : memref<3x600x64xf32, #tpu.memory_space<vmem>> -> memref<1x120x64xf32, #tpu.memory_space<vmem>>
      %dma_start3A_441 = tpu.memref_squeeze %dma_start3A_440 : memref<1x120x64xf32, #tpu.memory_space<vmem>> -> memref<120x64xf32, #tpu.memory_space<vmem>>
      %dma_start3A_442 = arith.constant 480 : i32
      %dma_start3A_443 = tpu.memref_slice %arg5[%dma_start3A_436, %dma_start3A_442] : memref<3x600xi32, #tpu.memory_space<vmem>> -> memref<1x120xi32, #tpu.memory_space<vmem>>
      %dma_start3A_444 = tpu.memref_squeeze %dma_start3A_443 : memref<1x120xi32, #tpu.memory_space<vmem>> -> memref<120xi32, #tpu.memory_space<vmem>>
      %dma_start3A_445 = arith.constant 0 : i32
      %dma_start3A_446 = arith.constant 0 : i32
      %dma_start3A_447 = tpu.memref_slice %arg2[%dma_start3A_445, %dma_start3A_446] : memref<99000x64xf32, #tpu.memory_space<hbm>> -> memref<99000x64xf32, #tpu.memory_space<hbm>>
      tpu.enqueue_indirect_dma source(%dma_start3A_447 : memref<99000x64xf32, #tpu.memory_space<hbm>>) target(%dma_start3A_441 : memref<120x64xf32, #tpu.memory_space<vmem>>) offsets(%dma_start3A_444 : memref<120xi32, #tpu.memory_space<vmem>>) semaphore(%arg7 : memref<!tpu.dma_semaphore, #tpu.memory_space<semaphore_mem>>)
      %mul3A_448 = arith.constant 3 : i32
      %mul3A_449 = arith.muli %mul3A_448, %scan3A_329 : i32
      %add3A_450 = arith.constant 1 : i32
      %add3A_451 = arith.addi %add3A_450, %mul3A_449 : i32
      %add3A_452 = arith.constant 1 : i32
      %add3A_453 = arith.addi %add3A_451, %add3A_452 : i32
      %dma_wait3A_454 = arith.constant 2 : i32
      %dma_wait3A_455 = arith.constant 0 : i32
      %dma_wait3A_456 = arith.constant 0 : i32
      %dma_wait3A_457 = tpu.memref_slice %arg6[%dma_wait3A_454, %dma_wait3A_455, %dma_wait3A_456] : memref<3x600x64xf32, #tpu.memory_space<vmem>> -> memref<1x600x64xf32, #tpu.memory_space<vmem>>
      %dma_wait3A_458 = tpu.memref_squeeze %dma_wait3A_457 : memref<1x600x64xf32, #tpu.memory_space<vmem>> -> memref<600x64xf32, #tpu.memory_space<vmem>>
      %dma_wait3A_459 = arith.constant 0 : i32
      %dma_wait3A_460 = arith.constant 0 : i32
      %dma_wait3A_461 = tpu.memref_slice %arg4[%dma_wait3A_459, %dma_wait3A_460] : memref<1152000x64xf32, #tpu.memory_space<hbm>> -> memref<600x64xf32, #tpu.memory_space<hbm>>
      %dma_wait3A_462 = arith.constant 0 : i32
      %dma_wait3A_463 = arith.constant 0 : i32
      %dma_wait3A_464 = tpu.memref_slice %arg6[%dma_wait3A_454, %dma_wait3A_462, %dma_wait3A_463] : memref<3x600x64xf32, #tpu.memory_space<vmem>> -> memref<1x600x64xf32, #tpu.memory_space<vmem>>
      %dma_wait3A_465 = tpu.memref_squeeze %dma_wait3A_464 : memref<1x600x64xf32, #tpu.memory_space<vmem>> -> memref<600x64xf32, #tpu.memory_space<vmem>>
      %dma_wait3A_466 = arith.constant 0 : i32
      %dma_wait3A_467 = arith.constant 0 : i32
      %dma_wait3A_468 = tpu.memref_slice %arg4[%dma_wait3A_466, %dma_wait3A_467] : memref<1152000x64xf32, #tpu.memory_space<hbm>> -> memref<600x64xf32, #tpu.memory_space<hbm>>
      tpu.wait_dma2 semaphore(%arg9 : memref<!tpu.dma_semaphore, #tpu.memory_space<semaphore_mem>>) src(%dma_wait3A_468 : memref<600x64xf32, #tpu.memory_space<hbm>>) dst(%dma_wait3A_465 : memref<600x64xf32, #tpu.memory_space<vmem>>)
      %mul3A_469 = arith.constant 600 : i32
      %mul3A_470 = arith.muli %add3A_453, %mul3A_469 : i32
      %add3A_471 = arith.addi %mul3A_2, %mul3A_470 : i32
      %dma_start3A_472 = arith.constant 2 : i32
      %dma_start3A_473 = arith.constant 0 : i32
      %dma_start3A_474 = arith.constant 0 : i32
      %dma_start3A_475 = tpu.memref_slice %arg6[%dma_start3A_472, %dma_start3A_473, %dma_start3A_474] : memref<3x600x64xf32, #tpu.memory_space<vmem>> -> memref<1x600x64xf32, #tpu.memory_space<vmem>>
      %dma_start3A_476 = tpu.memref_squeeze %dma_start3A_475 : memref<1x600x64xf32, #tpu.memory_space<vmem>> -> memref<600x64xf32, #tpu.memory_space<vmem>>
      %dma_start3A_477 = arith.constant 0 : i32
      %dma_start3A_478 = tpu.memref_slice %arg4[%add3A_471, %dma_start3A_477] : memref<1152000x64xf32, #tpu.memory_space<hbm>> -> memref<600x64xf32, #tpu.memory_space<hbm>>
      %dma_start3A_479 = arith.constant 0 : i32
      %dma_start3A_480 = tpu.memref_slice %arg4[%add3A_471, %dma_start3A_479] : memref<1152000x64xf32, #tpu.memory_space<hbm>> -> memref<600x64xf32, #tpu.memory_space<hbm>>
      %dma_start3A_481 = arith.constant 0 : i32
      %dma_start3A_482 = arith.constant 0 : i32
      %dma_start3A_483 = tpu.memref_slice %arg6[%dma_start3A_472, %dma_start3A_481, %dma_start3A_482] : memref<3x600x64xf32, #tpu.memory_space<vmem>> -> memref<1x600x64xf32, #tpu.memory_space<vmem>>
      %dma_start3A_484 = tpu.memref_squeeze %dma_start3A_483 : memref<1x600x64xf32, #tpu.memory_space<vmem>> -> memref<600x64xf32, #tpu.memory_space<vmem>>
      tpu.enqueue_dma source(%dma_start3A_484 : memref<600x64xf32, #tpu.memory_space<vmem>>) target(%dma_start3A_480 : memref<600x64xf32, #tpu.memory_space<hbm>>) target_semaphore(%arg12 : memref<!tpu.dma_semaphore, #tpu.memory_space<semaphore_mem>>)
      %dma_wait3A_485 = arith.constant 1 : i32
      %dma_wait3A_486 = arith.constant 0 : i32
      %dma_wait3A_487 = arith.constant 0 : i32
      %dma_wait3A_488 = tpu.memref_slice %arg6[%dma_wait3A_485, %dma_wait3A_486, %dma_wait3A_487] : memref<3x600x64xf32, #tpu.memory_space<vmem>> -> memref<1x600x64xf32, #tpu.memory_space<vmem>>
      %dma_wait3A_489 = tpu.memref_squeeze %dma_wait3A_488 : memref<1x600x64xf32, #tpu.memory_space<vmem>> -> memref<600x64xf32, #tpu.memory_space<vmem>>
      %dma_wait3A_490 = arith.constant 0 : i32
      %dma_wait3A_491 = arith.constant 0 : i32
      %dma_wait3A_492 = tpu.memref_slice %arg4[%dma_wait3A_490, %dma_wait3A_491] : memref<1152000x64xf32, #tpu.memory_space<hbm>> -> memref<600x64xf32, #tpu.memory_space<hbm>>
      %dma_wait3A_493 = arith.constant 0 : i32
      %dma_wait3A_494 = arith.constant 0 : i32
      %dma_wait3A_495 = tpu.memref_slice %arg6[%dma_wait3A_485, %dma_wait3A_493, %dma_wait3A_494] : memref<3x600x64xf32, #tpu.memory_space<vmem>> -> memref<1x600x64xf32, #tpu.memory_space<vmem>>
      %dma_wait3A_496 = tpu.memref_squeeze %dma_wait3A_495 : memref<1x600x64xf32, #tpu.memory_space<vmem>> -> memref<600x64xf32, #tpu.memory_space<vmem>>
      %dma_wait3A_497 = arith.constant 0 : i32
      %dma_wait3A_498 = arith.constant 0 : i32
      %dma_wait3A_499 = tpu.memref_slice %arg4[%dma_wait3A_497, %dma_wait3A_498] : memref<1152000x64xf32, #tpu.memory_space<hbm>> -> memref<600x64xf32, #tpu.memory_space<hbm>>
      tpu.wait_dma2 semaphore(%arg11 : memref<!tpu.dma_semaphore, #tpu.memory_space<semaphore_mem>>) src(%dma_wait3A_499 : memref<600x64xf32, #tpu.memory_space<hbm>>) dst(%dma_wait3A_496 : memref<600x64xf32, #tpu.memory_space<vmem>>)
      %add3A_500 = arith.constant 2 : i32
      %add3A_501 = arith.addi %add3A_453, %add3A_500 : i32
      %mul3A_502 = arith.constant 600 : i32
      %mul3A_503 = arith.muli %add3A_501, %mul3A_502 : i32
      %add3A_504 = arith.addi %mul3A_2, %mul3A_503 : i32
      %run_scoped3A_505 = arith.constant 1 : i32
      "tpu.region"() ({
        %run_scoped3A_684 = tpu.sem_alloc : memref<!tpu.dma_semaphore, #tpu.memory_space<semaphore_mem>>
        %dma_start3A_685 = arith.constant 0 : i32
        %dma_start3A_686 = tpu.memref_slice %arg5[%run_scoped3A_505, %dma_start3A_685] : memref<3x600xi32, #tpu.memory_space<vmem>> -> memref<1x600xi32, #tpu.memory_space<vmem>>
        %dma_start3A_687 = tpu.memref_squeeze %dma_start3A_686 : memref<1x600xi32, #tpu.memory_space<vmem>> -> memref<600xi32, #tpu.memory_space<vmem>>
        %dma_start3A_688 = tpu.memref_slice %arg3[%add3A_504] : memref<1152000xi32, #tpu.memory_space<hbm>> -> memref<600xi32, #tpu.memory_space<hbm>>
        %dma_start3A_689 = arith.constant 0 : i32
        %dma_start3A_690 = tpu.memref_slice %arg5[%run_scoped3A_505, %dma_start3A_689] : memref<3x600xi32, #tpu.memory_space<vmem>> -> memref<1x600xi32, #tpu.memory_space<vmem>>
        %dma_start3A_691 = tpu.memref_squeeze %dma_start3A_690 : memref<1x600xi32, #tpu.memory_space<vmem>> -> memref<600xi32, #tpu.memory_space<vmem>>
        %dma_start3A_692 = tpu.memref_slice %arg3[%add3A_504] : memref<1152000xi32, #tpu.memory_space<hbm>> -> memref<600xi32, #tpu.memory_space<hbm>>
        tpu.enqueue_dma source(%dma_start3A_692 : memref<600xi32, #tpu.memory_space<hbm>>) target(%dma_start3A_691 : memref<600xi32, #tpu.memory_space<vmem>>) target_semaphore(%run_scoped3A_684 : memref<!tpu.dma_semaphore, #tpu.memory_space<semaphore_mem>>)
        %dma_wait3A_693 = arith.constant 0 : i32
        %dma_wait3A_694 = tpu.memref_slice %arg5[%run_scoped3A_505, %dma_wait3A_693] : memref<3x600xi32, #tpu.memory_space<vmem>> -> memref<1x600xi32, #tpu.memory_space<vmem>>
        %dma_wait3A_695 = tpu.memref_squeeze %dma_wait3A_694 : memref<1x600xi32, #tpu.memory_space<vmem>> -> memref<600xi32, #tpu.memory_space<vmem>>
        %dma_wait3A_696 = tpu.memref_slice %arg3[%add3A_504] : memref<1152000xi32, #tpu.memory_space<hbm>> -> memref<600xi32, #tpu.memory_space<hbm>>
        %dma_wait3A_697 = arith.constant 0 : i32
        %dma_wait3A_698 = tpu.memref_slice %arg5[%run_scoped3A_505, %dma_wait3A_697] : memref<3x600xi32, #tpu.memory_space<vmem>> -> memref<1x600xi32, #tpu.memory_space<vmem>>
        %dma_wait3A_699 = tpu.memref_squeeze %dma_wait3A_698 : memref<1x600xi32, #tpu.memory_space<vmem>> -> memref<600xi32, #tpu.memory_space<vmem>>
        %dma_wait3A_700 = tpu.memref_slice %arg3[%add3A_504] : memref<1152000xi32, #tpu.memory_space<hbm>> -> memref<600xi32, #tpu.memory_space<hbm>>
        tpu.wait_dma2 semaphore(%run_scoped3A_684 : memref<!tpu.dma_semaphore, #tpu.memory_space<semaphore_mem>>) src(%dma_wait3A_700 : memref<600xi32, #tpu.memory_space<hbm>>) dst(%dma_wait3A_699 : memref<600xi32, #tpu.memory_space<vmem>>)
        tpu.yield
      }) : () -> ()
      %dma_start3A_506 = arith.constant 1 : i32
      %dma_start3A_507 = arith.constant 1 : i32
      %dma_start3A_508 = arith.constant 0 : i32
      %dma_start3A_509 = arith.constant 0 : i32
      %dma_start3A_510 = tpu.memref_slice %arg6[%dma_start3A_507, %dma_start3A_508, %dma_start3A_509] : memref<3x600x64xf32, #tpu.memory_space<vmem>> -> memref<1x120x64xf32, #tpu.memory_space<vmem>>
      %dma_start3A_511 = tpu.memref_squeeze %dma_start3A_510 : memref<1x120x64xf32, #tpu.memory_space<vmem>> -> memref<120x64xf32, #tpu.memory_space<vmem>>
      %dma_start3A_512 = arith.constant 0 : i32
      %dma_start3A_513 = tpu.memref_slice %arg5[%dma_start3A_506, %dma_start3A_512] : memref<3x600xi32, #tpu.memory_space<vmem>> -> memref<1x120xi32, #tpu.memory_space<vmem>>
      %dma_start3A_514 = tpu.memref_squeeze %dma_start3A_513 : memref<1x120xi32, #tpu.memory_space<vmem>> -> memref<120xi32, #tpu.memory_space<vmem>>
      %dma_start3A_515 = arith.constant 0 : i32
      %dma_start3A_516 = arith.constant 0 : i32
      %dma_start3A_517 = tpu.memref_slice %arg2[%dma_start3A_515, %dma_start3A_516] : memref<99000x64xf32, #tpu.memory_space<hbm>> -> memref<99000x64xf32, #tpu.memory_space<hbm>>
      tpu.enqueue_indirect_dma source(%dma_start3A_517 : memref<99000x64xf32, #tpu.memory_space<hbm>>) target(%dma_start3A_511 : memref<120x64xf32, #tpu.memory_space<vmem>>) offsets(%dma_start3A_514 : memref<120xi32, #tpu.memory_space<vmem>>) semaphore(%arg8 : memref<!tpu.dma_semaphore, #tpu.memory_space<semaphore_mem>>)
      %dma_start3A_518 = arith.constant 1 : i32
      %dma_start3A_519 = arith.constant 1 : i32
      %dma_start3A_520 = arith.constant 120 : i32
      %dma_start3A_521 = arith.constant 0 : i32
      %dma_start3A_522 = tpu.memref_slice %arg6[%dma_start3A_519, %dma_start3A_520, %dma_start3A_521] : memref<3x600x64xf32, #tpu.memory_space<vmem>> -> memref<1x120x64xf32, #tpu.memory_space<vmem>>
      %dma_start3A_523 = tpu.memref_squeeze %dma_start3A_522 : memref<1x120x64xf32, #tpu.memory_space<vmem>> -> memref<120x64xf32, #tpu.memory_space<vmem>>
      %dma_start3A_524 = arith.constant 120 : i32
      %dma_start3A_525 = tpu.memref_slice %arg5[%dma_start3A_518, %dma_start3A_524] : memref<3x600xi32, #tpu.memory_space<vmem>> -> memref<1x120xi32, #tpu.memory_space<vmem>>
      %dma_start3A_526 = tpu.memref_squeeze %dma_start3A_525 : memref<1x120xi32, #tpu.memory_space<vmem>> -> memref<120xi32, #tpu.memory_space<vmem>>
      %dma_start3A_527 = arith.constant 0 : i32
      %dma_start3A_528 = arith.constant 0 : i32
      %dma_start3A_529 = tpu.memref_slice %arg2[%dma_start3A_527, %dma_start3A_528] : memref<99000x64xf32, #tpu.memory_space<hbm>> -> memref<99000x64xf32, #tpu.memory_space<hbm>>
      tpu.enqueue_indirect_dma source(%dma_start3A_529 : memref<99000x64xf32, #tpu.memory_space<hbm>>) target(%dma_start3A_523 : memref<120x64xf32, #tpu.memory_space<vmem>>) offsets(%dma_start3A_526 : memref<120xi32, #tpu.memory_space<vmem>>) semaphore(%arg8 : memref<!tpu.dma_semaphore, #tpu.memory_space<semaphore_mem>>)
      %dma_start3A_530 = arith.constant 1 : i32
      %dma_start3A_531 = arith.constant 1 : i32
      %dma_start3A_532 = arith.constant 240 : i32
      %dma_start3A_533 = arith.constant 0 : i32
      %dma_start3A_534 = tpu.memref_slice %arg6[%dma_start3A_531, %dma_start3A_532, %dma_start3A_533] : memref<3x600x64xf32, #tpu.memory_space<vmem>> -> memref<1x120x64xf32, #tpu.memory_space<vmem>>
      %dma_start3A_535 = tpu.memref_squeeze %dma_start3A_534 : memref<1x120x64xf32, #tpu.memory_space<vmem>> -> memref<120x64xf32, #tpu.memory_space<vmem>>
      %dma_start3A_536 = arith.constant 240 : i32
      %dma_start3A_537 = tpu.memref_slice %arg5[%dma_start3A_530, %dma_start3A_536] : memref<3x600xi32, #tpu.memory_space<vmem>> -> memref<1x120xi32, #tpu.memory_space<vmem>>
      %dma_start3A_538 = tpu.memref_squeeze %dma_start3A_537 : memref<1x120xi32, #tpu.memory_space<vmem>> -> memref<120xi32, #tpu.memory_space<vmem>>
      %dma_start3A_539 = arith.constant 0 : i32
      %dma_start3A_540 = arith.constant 0 : i32
      %dma_start3A_541 = tpu.memref_slice %arg2[%dma_start3A_539, %dma_start3A_540] : memref<99000x64xf32, #tpu.memory_space<hbm>> -> memref<99000x64xf32, #tpu.memory_space<hbm>>
      tpu.enqueue_indirect_dma source(%dma_start3A_541 : memref<99000x64xf32, #tpu.memory_space<hbm>>) target(%dma_start3A_535 : memref<120x64xf32, #tpu.memory_space<vmem>>) offsets(%dma_start3A_538 : memref<120xi32, #tpu.memory_space<vmem>>) semaphore(%arg8 : memref<!tpu.dma_semaphore, #tpu.memory_space<semaphore_mem>>)
      %dma_start3A_542 = arith.constant 1 : i32
      %dma_start3A_543 = arith.constant 1 : i32
      %dma_start3A_544 = arith.constant 360 : i32
      %dma_start3A_545 = arith.constant 0 : i32
      %dma_start3A_546 = tpu.memref_slice %arg6[%dma_start3A_543, %dma_start3A_544, %dma_start3A_545] : memref<3x600x64xf32, #tpu.memory_space<vmem>> -> memref<1x120x64xf32, #tpu.memory_space<vmem>>
      %dma_start3A_547 = tpu.memref_squeeze %dma_start3A_546 : memref<1x120x64xf32, #tpu.memory_space<vmem>> -> memref<120x64xf32, #tpu.memory_space<vmem>>
      %dma_start3A_548 = arith.constant 360 : i32
      %dma_start3A_549 = tpu.memref_slice %arg5[%dma_start3A_542, %dma_start3A_548] : memref<3x600xi32, #tpu.memory_space<vmem>> -> memref<1x120xi32, #tpu.memory_space<vmem>>
      %dma_start3A_550 = tpu.memref_squeeze %dma_start3A_549 : memref<1x120xi32, #tpu.memory_space<vmem>> -> memref<120xi32, #tpu.memory_space<vmem>>
      %dma_start3A_551 = arith.constant 0 : i32
      %dma_start3A_552 = arith.constant 0 : i32
      %dma_start3A_553 = tpu.memref_slice %arg2[%dma_start3A_551, %dma_start3A_552] : memref<99000x64xf32, #tpu.memory_space<hbm>> -> memref<99000x64xf32, #tpu.memory_space<hbm>>
      tpu.enqueue_indirect_dma source(%dma_start3A_553 : memref<99000x64xf32, #tpu.memory_space<hbm>>) target(%dma_start3A_547 : memref<120x64xf32, #tpu.memory_space<vmem>>) offsets(%dma_start3A_550 : memref<120xi32, #tpu.memory_space<vmem>>) semaphore(%arg8 : memref<!tpu.dma_semaphore, #tpu.memory_space<semaphore_mem>>)
      %dma_start3A_554 = arith.constant 1 : i32
      %dma_start3A_555 = arith.constant 1 : i32
      %dma_start3A_556 = arith.constant 480 : i32
      %dma_start3A_557 = arith.constant 0 : i32
      %dma_start3A_558 = tpu.memref_slice %arg6[%dma_start3A_555, %dma_start3A_556, %dma_start3A_557] : memref<3x600x64xf32, #tpu.memory_space<vmem>> -> memref<1x120x64xf32, #tpu.memory_space<vmem>>
      %dma_start3A_559 = tpu.memref_squeeze %dma_start3A_558 : memref<1x120x64xf32, #tpu.memory_space<vmem>> -> memref<120x64xf32, #tpu.memory_space<vmem>>
      %dma_start3A_560 = arith.constant 480 : i32
      %dma_start3A_561 = tpu.memref_slice %arg5[%dma_start3A_554, %dma_start3A_560] : memref<3x600xi32, #tpu.memory_space<vmem>> -> memref<1x120xi32, #tpu.memory_space<vmem>>
      %dma_start3A_562 = tpu.memref_squeeze %dma_start3A_561 : memref<1x120xi32, #tpu.memory_space<vmem>> -> memref<120xi32, #tpu.memory_space<vmem>>
      %dma_start3A_563 = arith.constant 0 : i32
      %dma_start3A_564 = arith.constant 0 : i32
      %dma_start3A_565 = tpu.memref_slice %arg2[%dma_start3A_563, %dma_start3A_564] : memref<99000x64xf32, #tpu.memory_space<hbm>> -> memref<99000x64xf32, #tpu.memory_space<hbm>>
      tpu.enqueue_indirect_dma source(%dma_start3A_565 : memref<99000x64xf32, #tpu.memory_space<hbm>>) target(%dma_start3A_559 : memref<120x64xf32, #tpu.memory_space<vmem>>) offsets(%dma_start3A_562 : memref<120xi32, #tpu.memory_space<vmem>>) semaphore(%arg8 : memref<!tpu.dma_semaphore, #tpu.memory_space<semaphore_mem>>)
      %mul3A_566 = arith.constant 3 : i32
      %mul3A_567 = arith.muli %mul3A_566, %scan3A_329 : i32
      %add3A_568 = arith.constant 1 : i32
      %add3A_569 = arith.addi %add3A_568, %mul3A_567 : i32
      %add3A_570 = arith.constant 2 : i32
      %add3A_571 = arith.addi %add3A_569, %add3A_570 : i32
      %dma_wait3A_572 = arith.constant 0 : i32
      %dma_wait3A_573 = arith.constant 0 : i32
      %dma_wait3A_574 = arith.constant 0 : i32
      %dma_wait3A_575 = tpu.memref_slice %arg6[%dma_wait3A_572, %dma_wait3A_573, %dma_wait3A_574] : memref<3x600x64xf32, #tpu.memory_space<vmem>> -> memref<1x600x64xf32, #tpu.memory_space<vmem>>
      %dma_wait3A_576 = tpu.memref_squeeze %dma_wait3A_575 : memref<1x600x64xf32, #tpu.memory_space<vmem>> -> memref<600x64xf32, #tpu.memory_space<vmem>>
      %dma_wait3A_577 = arith.constant 0 : i32
      %dma_wait3A_578 = arith.constant 0 : i32
      %dma_wait3A_579 = tpu.memref_slice %arg4[%dma_wait3A_577, %dma_wait3A_578] : memref<1152000x64xf32, #tpu.memory_space<hbm>> -> memref<600x64xf32, #tpu.memory_space<hbm>>
      %dma_wait3A_580 = arith.constant 0 : i32
      %dma_wait3A_581 = arith.constant 0 : i32
      %dma_wait3A_582 = tpu.memref_slice %arg6[%dma_wait3A_572, %dma_wait3A_580, %dma_wait3A_581] : memref<3x600x64xf32, #tpu.memory_space<vmem>> -> memref<1x600x64xf32, #tpu.memory_space<vmem>>
      %dma_wait3A_583 = tpu.memref_squeeze %dma_wait3A_582 : memref<1x600x64xf32, #tpu.memory_space<vmem>> -> memref<600x64xf32, #tpu.memory_space<vmem>>
      %dma_wait3A_584 = arith.constant 0 : i32
      %dma_wait3A_585 = arith.constant 0 : i32
      %dma_wait3A_586 = tpu.memref_slice %arg4[%dma_wait3A_584, %dma_wait3A_585] : memref<1152000x64xf32, #tpu.memory_space<hbm>> -> memref<600x64xf32, #tpu.memory_space<hbm>>
      tpu.wait_dma2 semaphore(%arg7 : memref<!tpu.dma_semaphore, #tpu.memory_space<semaphore_mem>>) src(%dma_wait3A_586 : memref<600x64xf32, #tpu.memory_space<hbm>>) dst(%dma_wait3A_583 : memref<600x64xf32, #tpu.memory_space<vmem>>)
      %mul3A_587 = arith.constant 600 : i32
      %mul3A_588 = arith.muli %add3A_571, %mul3A_587 : i32
      %add3A_589 = arith.addi %mul3A_2, %mul3A_588 : i32
      %dma_start3A_590 = arith.constant 0 : i32
      %dma_start3A_591 = arith.constant 0 : i32
      %dma_start3A_592 = arith.constant 0 : i32
      %dma_start3A_593 = tpu.memref_slice %arg6[%dma_start3A_590, %dma_start3A_591, %dma_start3A_592] : memref<3x600x64xf32, #tpu.memory_space<vmem>> -> memref<1x600x64xf32, #tpu.memory_space<vmem>>
      %dma_start3A_594 = tpu.memref_squeeze %dma_start3A_593 : memref<1x600x64xf32, #tpu.memory_space<vmem>> -> memref<600x64xf32, #tpu.memory_space<vmem>>
      %dma_start3A_595 = arith.constant 0 : i32
      %dma_start3A_596 = tpu.memref_slice %arg4[%add3A_589, %dma_start3A_595] : memref<1152000x64xf32, #tpu.memory_space<hbm>> -> memref<600x64xf32, #tpu.memory_space<hbm>>
      %dma_start3A_597 = arith.constant 0 : i32
      %dma_start3A_598 = tpu.memref_slice %arg4[%add3A_589, %dma_start3A_597] : memref<1152000x64xf32, #tpu.memory_space<hbm>> -> memref<600x64xf32, #tpu.memory_space<hbm>>
      %dma_start3A_599 = arith.constant 0 : i32
      %dma_start3A_600 = arith.constant 0 : i32
      %dma_start3A_601 = tpu.memref_slice %arg6[%dma_start3A_590, %dma_start3A_599, %dma_start3A_600] : memref<3x600x64xf32, #tpu.memory_space<vmem>> -> memref<1x600x64xf32, #tpu.memory_space<vmem>>
      %dma_start3A_602 = tpu.memref_squeeze %dma_start3A_601 : memref<1x600x64xf32, #tpu.memory_space<vmem>> -> memref<600x64xf32, #tpu.memory_space<vmem>>
      tpu.enqueue_dma source(%dma_start3A_602 : memref<600x64xf32, #tpu.memory_space<vmem>>) target(%dma_start3A_598 : memref<600x64xf32, #tpu.memory_space<hbm>>) target_semaphore(%arg10 : memref<!tpu.dma_semaphore, #tpu.memory_space<semaphore_mem>>)
      %dma_wait3A_603 = arith.constant 2 : i32
      %dma_wait3A_604 = arith.constant 0 : i32
      %dma_wait3A_605 = arith.constant 0 : i32
      %dma_wait3A_606 = tpu.memref_slice %arg6[%dma_wait3A_603, %dma_wait3A_604, %dma_wait3A_605] : memref<3x600x64xf32, #tpu.memory_space<vmem>> -> memref<1x600x64xf32, #tpu.memory_space<vmem>>
      %dma_wait3A_607 = tpu.memref_squeeze %dma_wait3A_606 : memref<1x600x64xf32, #tpu.memory_space<vmem>> -> memref<600x64xf32, #tpu.memory_space<vmem>>
      %dma_wait3A_608 = arith.constant 0 : i32
      %dma_wait3A_609 = arith.constant 0 : i32
      %dma_wait3A_610 = tpu.memref_slice %arg4[%dma_wait3A_608, %dma_wait3A_609] : memref<1152000x64xf32, #tpu.memory_space<hbm>> -> memref<600x64xf32, #tpu.memory_space<hbm>>
      %dma_wait3A_611 = arith.constant 0 : i32
      %dma_wait3A_612 = arith.constant 0 : i32
      %dma_wait3A_613 = tpu.memref_slice %arg6[%dma_wait3A_603, %dma_wait3A_611, %dma_wait3A_612] : memref<3x600x64xf32, #tpu.memory_space<vmem>> -> memref<1x600x64xf32, #tpu.memory_space<vmem>>
      %dma_wait3A_614 = tpu.memref_squeeze %dma_wait3A_613 : memref<1x600x64xf32, #tpu.memory_space<vmem>> -> memref<600x64xf32, #tpu.memory_space<vmem>>
      %dma_wait3A_615 = arith.constant 0 : i32
      %dma_wait3A_616 = arith.constant 0 : i32
      %dma_wait3A_617 = tpu.memref_slice %arg4[%dma_wait3A_615, %dma_wait3A_616] : memref<1152000x64xf32, #tpu.memory_space<hbm>> -> memref<600x64xf32, #tpu.memory_space<hbm>>
      tpu.wait_dma2 semaphore(%arg12 : memref<!tpu.dma_semaphore, #tpu.memory_space<semaphore_mem>>) src(%dma_wait3A_617 : memref<600x64xf32, #tpu.memory_space<hbm>>) dst(%dma_wait3A_614 : memref<600x64xf32, #tpu.memory_space<vmem>>)
      %add3A_618 = arith.constant 2 : i32
      %add3A_619 = arith.addi %add3A_571, %add3A_618 : i32
      %mul3A_620 = arith.constant 600 : i32
      %mul3A_621 = arith.muli %add3A_619, %mul3A_620 : i32
      %add3A_622 = arith.addi %mul3A_2, %mul3A_621 : i32
      %run_scoped3A_623 = arith.constant 2 : i32
      "tpu.region"() ({
        %run_scoped3A_684 = tpu.sem_alloc : memref<!tpu.dma_semaphore, #tpu.memory_space<semaphore_mem>>
        %dma_start3A_685 = arith.constant 0 : i32
        %dma_start3A_686 = tpu.memref_slice %arg5[%run_scoped3A_623, %dma_start3A_685] : memref<3x600xi32, #tpu.memory_space<vmem>> -> memref<1x600xi32, #tpu.memory_space<vmem>>
        %dma_start3A_687 = tpu.memref_squeeze %dma_start3A_686 : memref<1x600xi32, #tpu.memory_space<vmem>> -> memref<600xi32, #tpu.memory_space<vmem>>
        %dma_start3A_688 = tpu.memref_slice %arg3[%add3A_622] : memref<1152000xi32, #tpu.memory_space<hbm>> -> memref<600xi32, #tpu.memory_space<hbm>>
        %dma_start3A_689 = arith.constant 0 : i32
        %dma_start3A_690 = tpu.memref_slice %arg5[%run_scoped3A_623, %dma_start3A_689] : memref<3x600xi32, #tpu.memory_space<vmem>> -> memref<1x600xi32, #tpu.memory_space<vmem>>
        %dma_start3A_691 = tpu.memref_squeeze %dma_start3A_690 : memref<1x600xi32, #tpu.memory_space<vmem>> -> memref<600xi32, #tpu.memory_space<vmem>>
        %dma_start3A_692 = tpu.memref_slice %arg3[%add3A_622] : memref<1152000xi32, #tpu.memory_space<hbm>> -> memref<600xi32, #tpu.memory_space<hbm>>
        tpu.enqueue_dma source(%dma_start3A_692 : memref<600xi32, #tpu.memory_space<hbm>>) target(%dma_start3A_691 : memref<600xi32, #tpu.memory_space<vmem>>) target_semaphore(%run_scoped3A_684 : memref<!tpu.dma_semaphore, #tpu.memory_space<semaphore_mem>>)
        %dma_wait3A_693 = arith.constant 0 : i32
        %dma_wait3A_694 = tpu.memref_slice %arg5[%run_scoped3A_623, %dma_wait3A_693] : memref<3x600xi32, #tpu.memory_space<vmem>> -> memref<1x600xi32, #tpu.memory_space<vmem>>
        %dma_wait3A_695 = tpu.memref_squeeze %dma_wait3A_694 : memref<1x600xi32, #tpu.memory_space<vmem>> -> memref<600xi32, #tpu.memory_space<vmem>>
        %dma_wait3A_696 = tpu.memref_slice %arg3[%add3A_622] : memref<1152000xi32, #tpu.memory_space<hbm>> -> memref<600xi32, #tpu.memory_space<hbm>>
        %dma_wait3A_697 = arith.constant 0 : i32
        %dma_wait3A_698 = tpu.memref_slice %arg5[%run_scoped3A_623, %dma_wait3A_697] : memref<3x600xi32, #tpu.memory_space<vmem>> -> memref<1x600xi32, #tpu.memory_space<vmem>>
        %dma_wait3A_699 = tpu.memref_squeeze %dma_wait3A_698 : memref<1x600xi32, #tpu.memory_space<vmem>> -> memref<600xi32, #tpu.memory_space<vmem>>
        %dma_wait3A_700 = tpu.memref_slice %arg3[%add3A_622] : memref<1152000xi32, #tpu.memory_space<hbm>> -> memref<600xi32, #tpu.memory_space<hbm>>
        tpu.wait_dma2 semaphore(%run_scoped3A_684 : memref<!tpu.dma_semaphore, #tpu.memory_space<semaphore_mem>>) src(%dma_wait3A_700 : memref<600xi32, #tpu.memory_space<hbm>>) dst(%dma_wait3A_699 : memref<600xi32, #tpu.memory_space<vmem>>)
        tpu.yield
      }) : () -> ()
      %dma_start3A_624 = arith.constant 2 : i32
      %dma_start3A_625 = arith.constant 2 : i32
      %dma_start3A_626 = arith.constant 0 : i32
      %dma_start3A_627 = arith.constant 0 : i32
      %dma_start3A_628 = tpu.memref_slice %arg6[%dma_start3A_625, %dma_start3A_626, %dma_start3A_627] : memref<3x600x64xf32, #tpu.memory_space<vmem>> -> memref<1x120x64xf32, #tpu.memory_space<vmem>>
      %dma_start3A_629 = tpu.memref_squeeze %dma_start3A_628 : memref<1x120x64xf32, #tpu.memory_space<vmem>> -> memref<120x64xf32, #tpu.memory_space<vmem>>
      %dma_start3A_630 = arith.constant 0 : i32
      %dma_start3A_631 = tpu.memref_slice %arg5[%dma_start3A_624, %dma_start3A_630] : memref<3x600xi32, #tpu.memory_space<vmem>> -> memref<1x120xi32, #tpu.memory_space<vmem>>
      %dma_start3A_632 = tpu.memref_squeeze %dma_start3A_631 : memref<1x120xi32, #tpu.memory_space<vmem>> -> memref<120xi32, #tpu.memory_space<vmem>>
      %dma_start3A_633 = arith.constant 0 : i32
      %dma_start3A_634 = arith.constant 0 : i32
      %dma_start3A_635 = tpu.memref_slice %arg2[%dma_start3A_633, %dma_start3A_634] : memref<99000x64xf32, #tpu.memory_space<hbm>> -> memref<99000x64xf32, #tpu.memory_space<hbm>>
      tpu.enqueue_indirect_dma source(%dma_start3A_635 : memref<99000x64xf32, #tpu.memory_space<hbm>>) target(%dma_start3A_629 : memref<120x64xf32, #tpu.memory_space<vmem>>) offsets(%dma_start3A_632 : memref<120xi32, #tpu.memory_space<vmem>>) semaphore(%arg9 : memref<!tpu.dma_semaphore, #tpu.memory_space<semaphore_mem>>)
      %dma_start3A_636 = arith.constant 2 : i32
      %dma_start3A_637 = arith.constant 2 : i32
      %dma_start3A_638 = arith.constant 120 : i32
      %dma_start3A_639 = arith.constant 0 : i32
      %dma_start3A_640 = tpu.memref_slice %arg6[%dma_start3A_637, %dma_start3A_638, %dma_start3A_639] : memref<3x600x64xf32, #tpu.memory_space<vmem>> -> memref<1x120x64xf32, #tpu.memory_space<vmem>>
      %dma_start3A_641 = tpu.memref_squeeze %dma_start3A_640 : memref<1x120x64xf32, #tpu.memory_space<vmem>> -> memref<120x64xf32, #tpu.memory_space<vmem>>
      %dma_start3A_642 = arith.constant 120 : i32
      %dma_start3A_643 = tpu.memref_slice %arg5[%dma_start3A_636, %dma_start3A_642] : memref<3x600xi32, #tpu.memory_space<vmem>> -> memref<1x120xi32, #tpu.memory_space<vmem>>
      %dma_start3A_644 = tpu.memref_squeeze %dma_start3A_643 : memref<1x120xi32, #tpu.memory_space<vmem>> -> memref<120xi32, #tpu.memory_space<vmem>>
      %dma_start3A_645 = arith.constant 0 : i32
      %dma_start3A_646 = arith.constant 0 : i32
      %dma_start3A_647 = tpu.memref_slice %arg2[%dma_start3A_645, %dma_start3A_646] : memref<99000x64xf32, #tpu.memory_space<hbm>> -> memref<99000x64xf32, #tpu.memory_space<hbm>>
      tpu.enqueue_indirect_dma source(%dma_start3A_647 : memref<99000x64xf32, #tpu.memory_space<hbm>>) target(%dma_start3A_641 : memref<120x64xf32, #tpu.memory_space<vmem>>) offsets(%dma_start3A_644 : memref<120xi32, #tpu.memory_space<vmem>>) semaphore(%arg9 : memref<!tpu.dma_semaphore, #tpu.memory_space<semaphore_mem>>)
      %dma_start3A_648 = arith.constant 2 : i32
      %dma_start3A_649 = arith.constant 2 : i32
      %dma_start3A_650 = arith.constant 240 : i32
      %dma_start3A_651 = arith.constant 0 : i32
      %dma_start3A_652 = tpu.memref_slice %arg6[%dma_start3A_649, %dma_start3A_650, %dma_start3A_651] : memref<3x600x64xf32, #tpu.memory_space<vmem>> -> memref<1x120x64xf32, #tpu.memory_space<vmem>>
      %dma_start3A_653 = tpu.memref_squeeze %dma_start3A_652 : memref<1x120x64xf32, #tpu.memory_space<vmem>> -> memref<120x64xf32, #tpu.memory_space<vmem>>
      %dma_start3A_654 = arith.constant 240 : i32
      %dma_start3A_655 = tpu.memref_slice %arg5[%dma_start3A_648, %dma_start3A_654] : memref<3x600xi32, #tpu.memory_space<vmem>> -> memref<1x120xi32, #tpu.memory_space<vmem>>
      %dma_start3A_656 = tpu.memref_squeeze %dma_start3A_655 : memref<1x120xi32, #tpu.memory_space<vmem>> -> memref<120xi32, #tpu.memory_space<vmem>>
      %dma_start3A_657 = arith.constant 0 : i32
      %dma_start3A_658 = arith.constant 0 : i32
      %dma_start3A_659 = tpu.memref_slice %arg2[%dma_start3A_657, %dma_start3A_658] : memref<99000x64xf32, #tpu.memory_space<hbm>> -> memref<99000x64xf32, #tpu.memory_space<hbm>>
      tpu.enqueue_indirect_dma source(%dma_start3A_659 : memref<99000x64xf32, #tpu.memory_space<hbm>>) target(%dma_start3A_653 : memref<120x64xf32, #tpu.memory_space<vmem>>) offsets(%dma_start3A_656 : memref<120xi32, #tpu.memory_space<vmem>>) semaphore(%arg9 : memref<!tpu.dma_semaphore, #tpu.memory_space<semaphore_mem>>)
      %dma_start3A_660 = arith.constant 2 : i32
      %dma_start3A_661 = arith.constant 2 : i32
      %dma_start3A_662 = arith.constant 360 : i32
      %dma_start3A_663 = arith.constant 0 : i32
      %dma_start3A_664 = tpu.memref_slice %arg6[%dma_start3A_661, %dma_start3A_662, %dma_start3A_663] : memref<3x600x64xf32, #tpu.memory_space<vmem>> -> memref<1x120x64xf32, #tpu.memory_space<vmem>>
      %dma_start3A_665 = tpu.memref_squeeze %dma_start3A_664 : memref<1x120x64xf32, #tpu.memory_space<vmem>> -> memref<120x64xf32, #tpu.memory_space<vmem>>
      %dma_start3A_666 = arith.constant 360 : i32
      %dma_start3A_667 = tpu.memref_slice %arg5[%dma_start3A_660, %dma_start3A_666] : memref<3x600xi32, #tpu.memory_space<vmem>> -> memref<1x120xi32, #tpu.memory_space<vmem>>
      %dma_start3A_668 = tpu.memref_squeeze %dma_start3A_667 : memref<1x120xi32, #tpu.memory_space<vmem>> -> memref<120xi32, #tpu.memory_space<vmem>>
      %dma_start3A_669 = arith.constant 0 : i32
      %dma_start3A_670 = arith.constant 0 : i32
      %dma_start3A_671 = tpu.memref_slice %arg2[%dma_start3A_669, %dma_start3A_670] : memref<99000x64xf32, #tpu.memory_space<hbm>> -> memref<99000x64xf32, #tpu.memory_space<hbm>>
      tpu.enqueue_indirect_dma source(%dma_start3A_671 : memref<99000x64xf32, #tpu.memory_space<hbm>>) target(%dma_start3A_665 : memref<120x64xf32, #tpu.memory_space<vmem>>) offsets(%dma_start3A_668 : memref<120xi32, #tpu.memory_space<vmem>>) semaphore(%arg9 : memref<!tpu.dma_semaphore, #tpu.memory_space<semaphore_mem>>)
      %dma_start3A_672 = arith.constant 2 : i32
      %dma_start3A_673 = arith.constant 2 : i32
      %dma_start3A_674 = arith.constant 480 : i32
      %dma_start3A_675 = arith.constant 0 : i32
      %dma_start3A_676 = tpu.memref_slice %arg6[%dma_start3A_673, %dma_start3A_674, %dma_start3A_675] : memref<3x600x64xf32, #tpu.memory_space<vmem>> -> memref<1x120x64xf32, #tpu.memory_space<vmem>>
      %dma_start3A_677 = tpu.memref_squeeze %dma_start3A_676 : memref<1x120x64xf32, #tpu.memory_space<vmem>> -> memref<120x64xf32, #tpu.memory_space<vmem>>
      %dma_start3A_678 = arith.constant 480 : i32
      %dma_start3A_679 = tpu.memref_slice %arg5[%dma_start3A_672, %dma_start3A_678] : memref<3x600xi32, #tpu.memory_space<vmem>> -> memref<1x120xi32, #tpu.memory_space<vmem>>
      %dma_start3A_680 = tpu.memref_squeeze %dma_start3A_679 : memref<1x120xi32, #tpu.memory_space<vmem>> -> memref<120xi32, #tpu.memory_space<vmem>>
      %dma_start3A_681 = arith.constant 0 : i32
      %dma_start3A_682 = arith.constant 0 : i32
      %dma_start3A_683 = tpu.memref_slice %arg2[%dma_start3A_681, %dma_start3A_682] : memref<99000x64xf32, #tpu.memory_space<hbm>> -> memref<99000x64xf32, #tpu.memory_space<hbm>>
      tpu.enqueue_indirect_dma source(%dma_start3A_683 : memref<99000x64xf32, #tpu.memory_space<hbm>>) target(%dma_start3A_677 : memref<120x64xf32, #tpu.memory_space<vmem>>) offsets(%dma_start3A_680 : memref<120xi32, #tpu.memory_space<vmem>>) semaphore(%arg9 : memref<!tpu.dma_semaphore, #tpu.memory_space<semaphore_mem>>)
    }
    %scan3A_223 = arith.constant 19 : i32
    %dma_wait3A_224 = arith.constant 1 : i32
    %dma_wait3A_225 = arith.constant 0 : i32
    %dma_wait3A_226 = arith.constant 0 : i32
    %dma_wait3A_227 = tpu.memref_slice %arg6[%dma_wait3A_224, %dma_wait3A_225, %dma_wait3A_226] : memref<3x600x64xf32, #tpu.memory_space<vmem>> -> memref<1x600x64xf32, #tpu.memory_space<vmem>>
    %dma_wait3A_228 = tpu.memref_squeeze %dma_wait3A_227 : memref<1x600x64xf32, #tpu.memory_space<vmem>> -> memref<600x64xf32, #tpu.memory_space<vmem>>
    %dma_wait3A_229 = arith.constant 0 : i32
    %dma_wait3A_230 = arith.constant 0 : i32
    %dma_wait3A_231 = tpu.memref_slice %arg4[%dma_wait3A_229, %dma_wait3A_230] : memref<1152000x64xf32, #tpu.memory_space<hbm>> -> memref<600x64xf32, #tpu.memory_space<hbm>>
    %dma_wait3A_232 = arith.constant 0 : i32
    %dma_wait3A_233 = arith.constant 0 : i32
    %dma_wait3A_234 = tpu.memref_slice %arg6[%dma_wait3A_224, %dma_wait3A_232, %dma_wait3A_233] : memref<3x600x64xf32, #tpu.memory_space<vmem>> -> memref<1x600x64xf32, #tpu.memory_space<vmem>>
    %dma_wait3A_235 = tpu.memref_squeeze %dma_wait3A_234 : memref<1x600x64xf32, #tpu.memory_space<vmem>> -> memref<600x64xf32, #tpu.memory_space<vmem>>
    %dma_wait3A_236 = arith.constant 0 : i32
    %dma_wait3A_237 = arith.constant 0 : i32
    %dma_wait3A_238 = tpu.memref_slice %arg4[%dma_wait3A_236, %dma_wait3A_237] : memref<1152000x64xf32, #tpu.memory_space<hbm>> -> memref<600x64xf32, #tpu.memory_space<hbm>>
    tpu.wait_dma2 semaphore(%arg8 : memref<!tpu.dma_semaphore, #tpu.memory_space<semaphore_mem>>) src(%dma_wait3A_238 : memref<600x64xf32, #tpu.memory_space<hbm>>) dst(%dma_wait3A_235 : memref<600x64xf32, #tpu.memory_space<vmem>>)
    %add3A_239 = arith.constant 34800 : i32
    %add3A_240 = arith.addi %mul3A_2, %add3A_239 : i32
    %dma_start3A_241 = arith.constant 1 : i32
    %dma_start3A_242 = arith.constant 0 : i32
    %dma_start3A_243 = arith.constant 0 : i32
    %dma_start3A_244 = tpu.memref_slice %arg6[%dma_start3A_241, %dma_start3A_242, %dma_start3A_243] : memref<3x600x64xf32, #tpu.memory_space<vmem>> -> memref<1x600x64xf32, #tpu.memory_space<vmem>>
    %dma_start3A_245 = tpu.memref_squeeze %dma_start3A_244 : memref<1x600x64xf32, #tpu.memory_space<vmem>> -> memref<600x64xf32, #tpu.memory_space<vmem>>
    %dma_start3A_246 = arith.constant 0 : i32
    %dma_start3A_247 = tpu.memref_slice %arg4[%add3A_240, %dma_start3A_246] : memref<1152000x64xf32, #tpu.memory_space<hbm>> -> memref<600x64xf32, #tpu.memory_space<hbm>>
    %dma_start3A_248 = arith.constant 0 : i32
    %dma_start3A_249 = tpu.memref_slice %arg4[%add3A_240, %dma_start3A_248] : memref<1152000x64xf32, #tpu.memory_space<hbm>> -> memref<600x64xf32, #tpu.memory_space<hbm>>
    %dma_start3A_250 = arith.constant 0 : i32
    %dma_start3A_251 = arith.constant 0 : i32
    %dma_start3A_252 = tpu.memref_slice %arg6[%dma_start3A_241, %dma_start3A_250, %dma_start3A_251] : memref<3x600x64xf32, #tpu.memory_space<vmem>> -> memref<1x600x64xf32, #tpu.memory_space<vmem>>
    %dma_start3A_253 = tpu.memref_squeeze %dma_start3A_252 : memref<1x600x64xf32, #tpu.memory_space<vmem>> -> memref<600x64xf32, #tpu.memory_space<vmem>>
    tpu.enqueue_dma source(%dma_start3A_253 : memref<600x64xf32, #tpu.memory_space<vmem>>) target(%dma_start3A_249 : memref<600x64xf32, #tpu.memory_space<hbm>>) target_semaphore(%arg11 : memref<!tpu.dma_semaphore, #tpu.memory_space<semaphore_mem>>)
    %dma_wait3A_254 = arith.constant 2 : i32
    %dma_wait3A_255 = arith.constant 0 : i32
    %dma_wait3A_256 = arith.constant 0 : i32
    %dma_wait3A_257 = tpu.memref_slice %arg6[%dma_wait3A_254, %dma_wait3A_255, %dma_wait3A_256] : memref<3x600x64xf32, #tpu.memory_space<vmem>> -> memref<1x600x64xf32, #tpu.memory_space<vmem>>
    %dma_wait3A_258 = tpu.memref_squeeze %dma_wait3A_257 : memref<1x600x64xf32, #tpu.memory_space<vmem>> -> memref<600x64xf32, #tpu.memory_space<vmem>>
    %dma_wait3A_259 = arith.constant 0 : i32
    %dma_wait3A_260 = arith.constant 0 : i32
    %dma_wait3A_261 = tpu.memref_slice %arg4[%dma_wait3A_259, %dma_wait3A_260] : memref<1152000x64xf32, #tpu.memory_space<hbm>> -> memref<600x64xf32, #tpu.memory_space<hbm>>
    %dma_wait3A_262 = arith.constant 0 : i32
    %dma_wait3A_263 = arith.constant 0 : i32
    %dma_wait3A_264 = tpu.memref_slice %arg6[%dma_wait3A_254, %dma_wait3A_262, %dma_wait3A_263] : memref<3x600x64xf32, #tpu.memory_space<vmem>> -> memref<1x600x64xf32, #tpu.memory_space<vmem>>
    %dma_wait3A_265 = tpu.memref_squeeze %dma_wait3A_264 : memref<1x600x64xf32, #tpu.memory_space<vmem>> -> memref<600x64xf32, #tpu.memory_space<vmem>>
    %dma_wait3A_266 = arith.constant 0 : i32
    %dma_wait3A_267 = arith.constant 0 : i32
    %dma_wait3A_268 = tpu.memref_slice %arg4[%dma_wait3A_266, %dma_wait3A_267] : memref<1152000x64xf32, #tpu.memory_space<hbm>> -> memref<600x64xf32, #tpu.memory_space<hbm>>
    tpu.wait_dma2 semaphore(%arg9 : memref<!tpu.dma_semaphore, #tpu.memory_space<semaphore_mem>>) src(%dma_wait3A_268 : memref<600x64xf32, #tpu.memory_space<hbm>>) dst(%dma_wait3A_265 : memref<600x64xf32, #tpu.memory_space<vmem>>)
    %add3A_269 = arith.constant 35400 : i32
    %add3A_270 = arith.addi %mul3A_2, %add3A_269 : i32
    %dma_start3A_271 = arith.constant 2 : i32
    %dma_start3A_272 = arith.constant 0 : i32
    %dma_start3A_273 = arith.constant 0 : i32
    %dma_start3A_274 = tpu.memref_slice %arg6[%dma_start3A_271, %dma_start3A_272, %dma_start3A_273] : memref<3x600x64xf32, #tpu.memory_space<vmem>> -> memref<1x600x64xf32, #tpu.memory_space<vmem>>
    %dma_start3A_275 = tpu.memref_squeeze %dma_start3A_274 : memref<1x600x64xf32, #tpu.memory_space<vmem>> -> memref<600x64xf32, #tpu.memory_space<vmem>>
    %dma_start3A_276 = arith.constant 0 : i32
    %dma_start3A_277 = tpu.memref_slice %arg4[%add3A_270, %dma_start3A_276] : memref<1152000x64xf32, #tpu.memory_space<hbm>> -> memref<600x64xf32, #tpu.memory_space<hbm>>
    %dma_start3A_278 = arith.constant 0 : i32
    %dma_start3A_279 = tpu.memref_slice %arg4[%add3A_270, %dma_start3A_278] : memref<1152000x64xf32, #tpu.memory_space<hbm>> -> memref<600x64xf32, #tpu.memory_space<hbm>>
    %dma_start3A_280 = arith.constant 0 : i32
    %dma_start3A_281 = arith.constant 0 : i32
    %dma_start3A_282 = tpu.memref_slice %arg6[%dma_start3A_271, %dma_start3A_280, %dma_start3A_281] : memref<3x600x64xf32, #tpu.memory_space<vmem>> -> memref<1x600x64xf32, #tpu.memory_space<vmem>>
    %dma_start3A_283 = tpu.memref_squeeze %dma_start3A_282 : memref<1x600x64xf32, #tpu.memory_space<vmem>> -> memref<600x64xf32, #tpu.memory_space<vmem>>
    tpu.enqueue_dma source(%dma_start3A_283 : memref<600x64xf32, #tpu.memory_space<vmem>>) target(%dma_start3A_279 : memref<600x64xf32, #tpu.memory_space<hbm>>) target_semaphore(%arg12 : memref<!tpu.dma_semaphore, #tpu.memory_space<semaphore_mem>>)
    %dma_wait3A_284 = arith.constant 0 : i32
    %dma_wait3A_285 = arith.constant 0 : i32
    %dma_wait3A_286 = arith.constant 0 : i32
    %dma_wait3A_287 = tpu.memref_slice %arg6[%dma_wait3A_284, %dma_wait3A_285, %dma_wait3A_286] : memref<3x600x64xf32, #tpu.memory_space<vmem>> -> memref<1x600x64xf32, #tpu.memory_space<vmem>>
    %dma_wait3A_288 = tpu.memref_squeeze %dma_wait3A_287 : memref<1x600x64xf32, #tpu.memory_space<vmem>> -> memref<600x64xf32, #tpu.memory_space<vmem>>
    %dma_wait3A_289 = arith.constant 0 : i32
    %dma_wait3A_290 = arith.constant 0 : i32
    %dma_wait3A_291 = tpu.memref_slice %arg4[%dma_wait3A_289, %dma_wait3A_290] : memref<1152000x64xf32, #tpu.memory_space<hbm>> -> memref<600x64xf32, #tpu.memory_space<hbm>>
    %dma_wait3A_292 = arith.constant 0 : i32
    %dma_wait3A_293 = arith.constant 0 : i32
    %dma_wait3A_294 = tpu.memref_slice %arg6[%dma_wait3A_284, %dma_wait3A_292, %dma_wait3A_293] : memref<3x600x64xf32, #tpu.memory_space<vmem>> -> memref<1x600x64xf32, #tpu.memory_space<vmem>>
    %dma_wait3A_295 = tpu.memref_squeeze %dma_wait3A_294 : memref<1x600x64xf32, #tpu.memory_space<vmem>> -> memref<600x64xf32, #tpu.memory_space<vmem>>
    %dma_wait3A_296 = arith.constant 0 : i32
    %dma_wait3A_297 = arith.constant 0 : i32
    %dma_wait3A_298 = tpu.memref_slice %arg4[%dma_wait3A_296, %dma_wait3A_297] : memref<1152000x64xf32, #tpu.memory_space<hbm>> -> memref<600x64xf32, #tpu.memory_space<hbm>>
    tpu.wait_dma2 semaphore(%arg10 : memref<!tpu.dma_semaphore, #tpu.memory_space<semaphore_mem>>) src(%dma_wait3A_298 : memref<600x64xf32, #tpu.memory_space<hbm>>) dst(%dma_wait3A_295 : memref<600x64xf32, #tpu.memory_space<vmem>>)
    %dma_wait3A_299 = arith.constant 1 : i32
    %dma_wait3A_300 = arith.constant 0 : i32
    %dma_wait3A_301 = arith.constant 0 : i32
    %dma_wait3A_302 = tpu.memref_slice %arg6[%dma_wait3A_299, %dma_wait3A_300, %dma_wait3A_301] : memref<3x600x64xf32, #tpu.memory_space<vmem>> -> memref<1x600x64xf32, #tpu.memory_space<vmem>>
    %dma_wait3A_303 = tpu.memref_squeeze %dma_wait3A_302 : memref<1x600x64xf32, #tpu.memory_space<vmem>> -> memref<600x64xf32, #tpu.memory_space<vmem>>
    %dma_wait3A_304 = arith.constant 0 : i32
    %dma_wait3A_305 = arith.constant 0 : i32
    %dma_wait3A_306 = tpu.memref_slice %arg4[%dma_wait3A_304, %dma_wait3A_305] : memref<1152000x64xf32, #tpu.memory_space<hbm>> -> memref<600x64xf32, #tpu.memory_space<hbm>>
    %dma_wait3A_307 = arith.constant 0 : i32
    %dma_wait3A_308 = arith.constant 0 : i32
    %dma_wait3A_309 = tpu.memref_slice %arg6[%dma_wait3A_299, %dma_wait3A_307, %dma_wait3A_308] : memref<3x600x64xf32, #tpu.memory_space<vmem>> -> memref<1x600x64xf32, #tpu.memory_space<vmem>>
    %dma_wait3A_310 = tpu.memref_squeeze %dma_wait3A_309 : memref<1x600x64xf32, #tpu.memory_space<vmem>> -> memref<600x64xf32, #tpu.memory_space<vmem>>
    %dma_wait3A_311 = arith.constant 0 : i32
    %dma_wait3A_312 = arith.constant 0 : i32
    %dma_wait3A_313 = tpu.memref_slice %arg4[%dma_wait3A_311, %dma_wait3A_312] : memref<1152000x64xf32, #tpu.memory_space<hbm>> -> memref<600x64xf32, #tpu.memory_space<hbm>>
    tpu.wait_dma2 semaphore(%arg11 : memref<!tpu.dma_semaphore, #tpu.memory_space<semaphore_mem>>) src(%dma_wait3A_313 : memref<600x64xf32, #tpu.memory_space<hbm>>) dst(%dma_wait3A_310 : memref<600x64xf32, #tpu.memory_space<vmem>>)
    %dma_wait3A_314 = arith.constant 2 : i32
    %dma_wait3A_315 = arith.constant 0 : i32
    %dma_wait3A_316 = arith.constant 0 : i32
    %dma_wait3A_317 = tpu.memref_slice %arg6[%dma_wait3A_314, %dma_wait3A_315, %dma_wait3A_316] : memref<3x600x64xf32, #tpu.memory_space<vmem>> -> memref<1x600x64xf32, #tpu.memory_space<vmem>>
    %dma_wait3A_318 = tpu.memref_squeeze %dma_wait3A_317 : memref<1x600x64xf32, #tpu.memory_space<vmem>> -> memref<600x64xf32, #tpu.memory_space<vmem>>
    %dma_wait3A_319 = arith.constant 0 : i32
    %dma_wait3A_320 = arith.constant 0 : i32
    %dma_wait3A_321 = tpu.memref_slice %arg4[%dma_wait3A_319, %dma_wait3A_320] : memref<1152000x64xf32, #tpu.memory_space<hbm>> -> memref<600x64xf32, #tpu.memory_space<hbm>>
    %dma_wait3A_322 = arith.constant 0 : i32
    %dma_wait3A_323 = arith.constant 0 : i32
    %dma_wait3A_324 = tpu.memref_slice %arg6[%dma_wait3A_314, %dma_wait3A_322, %dma_wait3A_323] : memref<3x600x64xf32, #tpu.memory_space<vmem>> -> memref<1x600x64xf32, #tpu.memory_space<vmem>>
    %dma_wait3A_325 = tpu.memref_squeeze %dma_wait3A_324 : memref<1x600x64xf32, #tpu.memory_space<vmem>> -> memref<600x64xf32, #tpu.memory_space<vmem>>
    %dma_wait3A_326 = arith.constant 0 : i32
    %dma_wait3A_327 = arith.constant 0 : i32
    %dma_wait3A_328 = tpu.memref_slice %arg4[%dma_wait3A_326, %dma_wait3A_327] : memref<1152000x64xf32, #tpu.memory_space<hbm>> -> memref<600x64xf32, #tpu.memory_space<hbm>>
    tpu.wait_dma2 semaphore(%arg12 : memref<!tpu.dma_semaphore, #tpu.memory_space<semaphore_mem>>) src(%dma_wait3A_328 : memref<600x64xf32, #tpu.memory_space<hbm>>) dst(%dma_wait3A_325 : memref<600x64xf32, #tpu.memory_space<vmem>>)
    return
  }
}

module attributes {stable_mosaic.version = 14 : i64} {
  func.func @_fidx_body(%arg0: i32, %arg1: memref<4x10x900xi32, #tpu.memory_space<vmem>>, %arg2: memref<4x10x900xi32, #tpu.memory_space<vmem>>) attributes {dimension_semantics = [#tpu.dimension_semantics<arbitrary>], iteration_bounds = array<i64: 32>, scalar_prefetch = 0 : i64, scratch_operands = 0 : i64, tpu.core_type = #tpu.core_type<tc>, window_params = [{transform_indices = @transform_0, window_bounds = array<i64: 4, 10, 900>}, {transform_indices = @transform_1, window_bounds = array<i64: 4, 10, 900>}]} {
    %iota3A = tpu.iota {dimensions = array<i32: 1>} : vector<4x10x900xi32>
    %iota3A_0 = tpu.iota {dimensions = array<i32: 2>} : vector<4x10x900xi32>
    %get3A = arith.constant 0 : index
    %get3A_1 = arith.constant 0 : index
    %get3A_2 = arith.constant 0 : index
    %get3A_3 = vector.load %arg1[%get3A, %get3A_1, %get3A_2] : memref<4x10x900xi32, #tpu.memory_space<vmem>>, vector<4x10x900xi32>
    %mul3A = arith.constant 900 : i32
    %mul3A_4 = vector.broadcast %mul3A : i32 to vector<4x10x900xi32>
    %mul3A_5 = arith.muli %get3A_3, %mul3A_4 : vector<4x10x900xi32>
    %mul3A_6 = arith.constant 9900 : i32
    %mul3A_7 = vector.broadcast %mul3A_6 : i32 to vector<4x10x900xi32>
    %mul3A_8 = arith.muli %iota3A, %mul3A_7 : vector<4x10x900xi32>
    %add3A = arith.addi %mul3A_5, %mul3A_8 : vector<4x10x900xi32>
    %add3A_9 = arith.addi %add3A, %iota3A_0 : vector<4x10x900xi32>
    %swap3A = arith.constant 0 : index
    %swap3A_10 = arith.constant 0 : index
    %swap3A_11 = arith.constant 0 : index
    %swap3A_12 = vector.load %arg2[%swap3A, %swap3A_10, %swap3A_11] : memref<4x10x900xi32, #tpu.memory_space<vmem>>, vector<4x10x900xi32>
    tpu.vector_store %arg2[%swap3A, %swap3A_10, %swap3A_11], %add3A_9 {strides = array<i32>} : memref<4x10x900xi32, #tpu.memory_space<vmem>>, vector<4x10x900xi32>,
    return
  }
  func.func @transform_0(%arg0: i32) -> (i32, i32, i32) {
    %c0_i32 = arith.constant 0 : i32
    %c0_i32_0 = arith.constant 0 : i32
    %c0_i32_1 = arith.constant 0 : i32
    return %arg0, %c0_i32, %c0_i32_0 : i32, i32, i32
  }
  func.func @transform_1(%arg0: i32) -> (i32, i32, i32) {
    %c0_i32 = arith.constant 0 : i32
    %c0_i32_0 = arith.constant 0 : i32
    %c0_i32_1 = arith.constant 0 : i32
    return %arg0, %c0_i32, %c0_i32_0 : i32, i32, i32
  }
}

module attributes {stable_mosaic.version = 14 : i64} {
  func.func @_mega_body(%arg0: i32, %arg1: memref<11x64xf32, #tpu.memory_space<vmem>>, %arg2: memref<30x64xf32, #tpu.memory_space<vmem>>, %arg3: memref<30x64xf32, #tpu.memory_space<vmem>>, %arg4: memref<11x64xf32, #tpu.memory_space<vmem>>, %arg5: memref<2x64xf32, #tpu.memory_space<vmem>>, %arg6: memref<11x30x30x64xf32, #tpu.memory_space<vmem>>) attributes {dimension_semantics = [#tpu.dimension_semantics<arbitrary>], iteration_bounds = array<i64: 10>, scalar_prefetch = 0 : i64, scratch_operands = 0 : i64, tpu.core_type = #tpu.core_type<tc>, window_params = [{pipeline_mode = #tpu.pipeline_mode<synchronous>, transform_indices = @transform_0, window_bounds = array<i64: 11, 64>}, {pipeline_mode = #tpu.pipeline_mode<synchronous>, transform_indices = @transform_1, window_bounds = array<i64: 30, 64>}, {pipeline_mode = #tpu.pipeline_mode<synchronous>, transform_indices = @transform_2, window_bounds = array<i64: 30, 64>}, {pipeline_mode = #tpu.pipeline_mode<synchronous>, transform_indices = @transform_3, window_bounds = array<i64: 11, 64>}, {pipeline_mode = #tpu.pipeline_mode<synchronous>, transform_indices = @transform_4, window_bounds = array<i64: 2, 64>}, {transform_indices = @transform_5, window_bounds = array<i64: 11, 30, 30, 64>}]} {
    %jit3A = arith.constant 2 : i32
    %div3A = arith.divsi %arg0, %jit3A : i32
    %sign3A = arith.constant 0 : i32
    %sign3A_0 = arith.cmpi sgt, %arg0, %sign3A : i32
    %sign3A_1 = arith.extui %sign3A_0 : i1 to i32
    %sign3A_2 = arith.constant 0 : i32
    %sign3A_3 = arith.cmpi slt, %arg0, %sign3A_2 : i32
    %sign3A_4 = arith.extui %sign3A_3 : i1 to i32
    %sign3A_5 = arith.subi %sign3A_1, %sign3A_4 : i32
    %sign3A_6 = arith.constant 0 : i32
    %sign3A_7 = arith.cmpi sgt, %jit3A, %sign3A_6 : i32
    %sign3A_8 = arith.extui %sign3A_7 : i1 to i32
    %sign3A_9 = arith.constant 0 : i32
    %sign3A_10 = arith.cmpi slt, %jit3A, %sign3A_9 : i32
    %sign3A_11 = arith.extui %sign3A_10 : i1 to i32
    %sign3A_12 = arith.subi %sign3A_8, %sign3A_11 : i32
    %ne3A = arith.cmpi ne, %sign3A_5, %sign3A_12 : i32
    %rem3A = arith.remsi %arg0, %jit3A : i32
    %ne3A_13 = arith.constant 0 : i32
    %ne3A_14 = arith.cmpi ne, %rem3A, %ne3A_13 : i32
    %and3A = arith.andi %ne3A, %ne3A_14 : i1
    %sub3A = arith.constant 1 : i32
    %sub3A_15 = arith.subi %div3A, %sub3A : i32
    %select_n3A = arith.select %and3A, %sub3A_15, %div3A : i32
    %add3A = arith.constant 1 : i32
    %add3A_16 = arith.addi %select_n3A, %add3A : i32
    %get3A = arith.index_cast %add3A_16 : i32 to index
    %get3A_17 = arith.constant 0 : index
    %get3A_18 = vector.load %arg4[%get3A, %get3A_17] : memref<11x64xf32, #tpu.memory_space<vmem>>, vector<1x64xf32>
    %jit3A_19 = arith.constant 2 : i32
    %eq3A = arith.constant 0 : i32
    %eq3A_20 = arith.cmpi eq, %jit3A_19, %eq3A : i32
    %jit3A_21 = arith.constant 1 : i32
    %select_n3A_22 = arith.select %eq3A_20, %jit3A_21, %jit3A_19 : i32
    %rem3A_23 = arith.remsi %arg0, %select_n3A_22 : i32
    %ne3A_24 = arith.constant 0 : i32
    %ne3A_25 = arith.cmpi ne, %rem3A_23, %ne3A_24 : i32
    %lt3A = arith.constant 0 : i32
    %lt3A_26 = arith.cmpi slt, %rem3A_23, %lt3A : i32
    %lt3A_27 = arith.constant 0 : i32
    %lt3A_28 = arith.cmpi slt, %select_n3A_22, %lt3A_27 : i32
    %ne3A_29 = arith.xori %lt3A_26, %lt3A_28 : i1
    %and3A_30 = arith.andi %ne3A_29, %ne3A_25 : i1
    %add3A_31 = arith.addi %rem3A_23, %select_n3A_22 : i32
    %select_n3A_32 = arith.select %and3A_30, %add3A_31, %rem3A_23 : i32
    %get3A_33 = arith.index_cast %select_n3A_32 : i32 to index
    %get3A_34 = arith.constant 0 : index
    %get3A_35 = vector.load %arg5[%get3A_33, %get3A_34] : memref<2x64xf32, #tpu.memory_space<vmem>>, vector<1x64xf32>
    %add3A_36 = arith.addf %get3A_18, %get3A_35 : vector<1x64xf32>
    %get3A_37 = arith.constant 0 : index
    %get3A_38 = arith.constant 0 : index
    %get3A_39 = vector.load %arg1[%get3A_37, %get3A_38] : memref<11x64xf32, #tpu.memory_space<vmem>>, vector<11x64xf32>
    %broadcast_in_dim3A = vector.shape_cast %get3A_39 : vector<11x64xf32> to vector<11x1x1x64xf32>
    %get3A_40 = arith.constant 0 : index
    %get3A_41 = arith.constant 0 : index
    %get3A_42 = vector.load %arg2[%get3A_40, %get3A_41] : memref<30x64xf32, #tpu.memory_space<vmem>>, vector<30x64xf32>
    %broadcast_in_dim3A_43 = vector.shape_cast %get3A_42 : vector<30x64xf32> to vector<1x30x1x64xf32>
    %add3A_44 = vector.broadcast %broadcast_in_dim3A : vector<11x1x1x64xf32> to vector<11x30x1x64xf32>
    %add3A_45 = vector.broadcast %broadcast_in_dim3A_43 : vector<1x30x1x64xf32> to vector<11x30x1x64xf32>
    %add3A_46 = arith.addf %add3A_44, %add3A_45 : vector<11x30x1x64xf32>
    %get3A_47 = arith.constant 0 : index
    %get3A_48 = arith.constant 0 : index
    %get3A_49 = vector.load %arg3[%get3A_47, %get3A_48] : memref<30x64xf32, #tpu.memory_space<vmem>>, vector<30x64xf32>
    %broadcast_in_dim3A_50 = vector.shape_cast %get3A_49 : vector<30x64xf32> to vector<1x1x30x64xf32>
    %add3A_51 = vector.broadcast %add3A_46 : vector<11x30x1x64xf32> to vector<11x30x30x64xf32>
    %add3A_52 = vector.broadcast %broadcast_in_dim3A_50 : vector<1x1x30x64xf32> to vector<11x30x30x64xf32>
    %add3A_53 = arith.addf %add3A_51, %add3A_52 : vector<11x30x30x64xf32>
    %broadcast_in_dim3A_54 = vector.shape_cast %add3A_36 : vector<1x64xf32> to vector<1x1x1x64xf32>
    %add3A_55 = vector.broadcast %broadcast_in_dim3A_54 : vector<1x1x1x64xf32> to vector<11x30x30x64xf32>
    %add3A_56 = arith.addf %add3A_53, %add3A_55 : vector<11x30x30x64xf32>
    %swap3A = arith.constant 0 : index
    %swap3A_57 = arith.constant 0 : index
    %swap3A_58 = arith.constant 0 : index
    %swap3A_59 = arith.constant 0 : index
    %swap3A_60 = vector.load %arg6[%swap3A, %swap3A_57, %swap3A_58, %swap3A_59] : memref<11x30x30x64xf32, #tpu.memory_space<vmem>>, vector<11x30x30x64xf32>
    tpu.vector_store %arg6[%swap3A, %swap3A_57, %swap3A_58, %swap3A_59], %add3A_56 {strides = array<i32>} : memref<11x30x30x64xf32, #tpu.memory_space<vmem>>, vector<11x30x30x64xf32>,
    return
  }
  func.func @transform_0(%arg0: i32) -> (i32, i32) {
    %c0_i32 = arith.constant 0 : i32
    %c0_i32_0 = arith.constant 0 : i32
    %c0_i32_1 = arith.constant 0 : i32
    return %c0_i32, %c0_i32_0 : i32, i32
  }
  func.func @transform_1(%arg0: i32) -> (i32, i32) {
    %c0_i32 = arith.constant 0 : i32
    %c0_i32_0 = arith.constant 0 : i32
    %c0_i32_1 = arith.constant 0 : i32
    return %c0_i32, %c0_i32_0 : i32, i32
  }
  func.func @transform_2(%arg0: i32) -> (i32, i32) {
    %c0_i32 = arith.constant 0 : i32
    %c0_i32_0 = arith.constant 0 : i32
    %c0_i32_1 = arith.constant 0 : i32
    return %c0_i32, %c0_i32_0 : i32, i32
  }
  func.func @transform_3(%arg0: i32) -> (i32, i32) {
    %c0_i32 = arith.constant 0 : i32
    %c0_i32_0 = arith.constant 0 : i32
    %c0_i32_1 = arith.constant 0 : i32
    return %c0_i32, %c0_i32_0 : i32, i32
  }
  func.func @transform_4(%arg0: i32) -> (i32, i32) {
    %c0_i32 = arith.constant 0 : i32
    %c0_i32_0 = arith.constant 0 : i32
    %c0_i32_1 = arith.constant 0 : i32
    return %c0_i32, %c0_i32_0 : i32, i32
  }
  func.func @transform_5(%arg0: i32) -> (i32, i32, i32, i32) {
    %c0_i32 = arith.constant 0 : i32
    %c0_i32_0 = arith.constant 0 : i32
    %c0_i32_1 = arith.constant 0 : i32
    %c0_i32_2 = arith.constant 0 : i32
    return %arg0, %c0_i32, %c0_i32_0, %c0_i32_1 : i32, i32, i32, i32
  }
}

</mosaic_0001>

<sc_bundles>
// kernel: kernel.5.cloned.1.call-start
scs
__scs_entry_jumppad:
0x0: {  	(pc) =	sbr.rel $0x88, $3  }
0x1: {  	(tag) =	ssettag $0x0;
	lr =	simm.s32 $0x1  }
0x2: {  	[smem:$0x3F9B] =	sst lr;
	_ =	strace $0xD0000000  }
0x3: {  	_ = 	snop  }
0x4: {  	_ = 	snop  }
0x5: {  	_ = 	snop  }
0x6: {  	_ = 	snop  }
0x7: {  	_ = 	snop  }
__scs_overlays_trampoline_lowered:
0x8: {  	[smem:$0x3FAA] =	sst s0  }
0x9: {  	[smem:$0x3FAB] =	sst s1  }
0xa: {  	[smem:$0x3FAC] =	sst s2  }
0xb: {  	[smem:$0x3FAD] =	sst s3  }
0xc: {  	[smem:$0x3FAE] =	sst s4  }
0xd: {  	[smem:$0x3FAF] =	sst s5  }
0xe: {  	[smem:$0x3FB0] =	sst s6  }
0xf: {  	[smem:$0x3FB1] =	sst s7  }
0x10: {  	[smem:$0x3FB2] =	sst s8  }
0x11: {  	[smem:$0x3FB3] =	sst s9;
	s0 =	simm.s32 @!p0 $0x0  }
0x12: {  	s1 =	sld [smem:$0x3F99];
	s0 =	simm.s32 @p0 $0x1  }
0x13: {  	[smem:$0x3FB4] =	sst s0;
	s0 =	simm.s32 @!p1 $0x0  }
0x14: {  	s2 =	sld [smem:$0x3F98];
	s0 =	simm.s32 @p1 $0x1  }
0x15: {  	[smem:$0x3FB5] =	sst s0;
	s0 =	simm.s32 @!p2 $0x0  }
0x16: {  	s3 =	sld [smem:$0x3FDB];
	s0 =	simm.s32 @p2 $0x1  }
0x17: {  	s4 =	simm.s32 $0x1BF5;
	[smem:$0x3FB7] =	sst s0  }
0x18: {  	s0 =	sld [smem:$0x3F9A];
	_ =	swait.ge [sflag:s4], $0x0  }
0x19: {  	s7 =	sld [smem:$0x3F9B]  }
0x1a: {  	s8 =	sadd.s32 $0xFFFFE003, lr  }
0x1b: {  	s9 =	sadd.s32 $0xFFFFFEF7, lr;
	s5 =	simm.s32 $0xFFFFFFFF;
	p2 =	slt.u32 s8, $0xFFFFF086  }
0x1c: {  	p1 =	slt.u32 s9, $0xF7A;
	s5 =	simm.s32 @!p2 $0x0  }
0x1d: {  	s5 =	simm.s32 @p1 $0x1;
	p0 =	seq.s32 s7, s2  }
0x1e: {  	s7 =	smul.u32 @!p0 $0xF7A, s2;
	p2 =	seq.s32 @!p0 s5, $0x0  }
0x1f: {  	s9 =	smul.u32 $0xF7A, s1;
	s8 =	simm.s32 @!p0 $0x1BF5;
	p2 =	por !p2, p0  }
0x20: {  	[sflag:s8] =	ssyncset.s32 @!p0 $0xFFFFF086;
	s6 =	sadd.s32 @!p0 s3, s7;
	s7 =	simm.s32 @!p0 $0x108  }
0x21: {  	s3 =	sadd.s32 s3, s9;
	s6 =	sadd.s32 @!p0 $0x88, s6;
	s7 =	simm.s32 @p2 $0x1082  }
0x22: {  	[simem:s7], [sflag:s8] =	dma.local @!p0 [hbm:s6], $0xF7A  }
0x23: {  	s9 =	sor.u32 $0xD0000000, s2;
	s6 =	simm.s32 $0x108;
	_ =	swait.ge @!p0 [sflag:s8], $0x0  }
0x24: {  	s3 =	sadd.s32 $0x88, s3;
	s6 =	simm.s32 @!p1 $0x1082;
	[sflag:s4] =	ssyncset.s32 $0xFFFFF086  }
0x25: {  	[simem:s6], [sflag:s4] =	dma.local [hbm:s3], $0xF7A  }
0x26: {  	[smem:$0x3F9B] =	sst s1;
	(tag) =	ssettag s2;
	_ =	strace s9  }
0x27: {  	s1 =	sld [smem:$0x3FAB]  }
0x28: {  	s2 =	sld [smem:$0x3FAC]  }
0x29: {  	s4 =	sld [smem:$0x3FAE]  }
0x2a: {  	p0 =	seq.s32 s5, $0x0;
	s5 =	sld [smem:$0x3FAF]  }
0x2b: {  	s6 =	sld [smem:$0x3FB0]  }
0x2c: {  	s7 =	sld [smem:$0x3FB1]  }
0x2d: {  	s3 =	simm.s32 $0x108;
	s8 =	sld [smem:$0x3FB2]  }
0x2e: {  	s3 =	simm.s32 @!p0 $0x1082;
	s9 =	sld [smem:$0x3FB3]  }
0x2f: {  	lr =	sadd.s32 s0, s3;
	s0 =	sld [smem:$0x3FAA]  }
0x30: {  	s3 =	sld [smem:$0x3FAD]  }
0x31: {  	[smem:$0x3FB6] =	sst s10  }
0x32: {  	s10 =	sld [smem:$0x3FB4];
	_ =	sdelay $0x3  }
0x33: {  	p0 =	seq.s32 s10, $0x1;
	s10 =	sld [smem:$0x3FB6];
	_ =	sdelay $0x3  }
0x34: {  	[smem:$0x3FB6] =	sst s10  }
0x35: {  	s10 =	sld [smem:$0x3FB5];
	_ =	sdelay $0x3  }
0x36: {  	p1 =	seq.s32 s10, $0x1;
	s10 =	sld [smem:$0x3FB6];
	_ =	sdelay $0x3  }
0x37: {  	[smem:$0x3FB6] =	sst s10  }
0x38: {  	s10 =	sld [smem:$0x3FB7]  }
0x39: {  	_ = 	snop;
	(pc) =	sbr.ind lr, $3  }
0x3a: {  	_ = 	snop  }
0x3b: {  	_ = 	snop  }
0x3c: {  	p2 =	seq.s32 s10, $0x1;
	s10 =	sld [smem:$0x3FB6]  }
0x3d: {  	_ =	shalt  }
0x3e: {  	_ =	shalt  }
0x3f: {  	_ =	shalt  }
0x40: {  	_ =	shalt  }
0x41: {  	_ =	shalt  }
0x42: {  	_ =	shalt  }
0x43: {  	_ =	shalt  }
0x44: {  	_ =	shalt  }
0x45: {  	_ =	shalt  }
0x46: {  	_ =	shalt  }
0x47: {  	_ =	shalt  }
0x48: {  	_ =	shalt  }
0x49: {  	_ =	shalt  }
0x4a: {  	_ =	shalt  }
0x4b: {  	_ =	shalt  }
0x4c: {  	_ =	shalt  }
0x4d: {  	_ =	shalt  }
0x4e: {  	_ =	shalt  }
0x4f: {  	_ =	shalt  }
0x50: {  	_ =	shalt  }
0x51: {  	_ =	shalt  }
0x52: {  	_ =	shalt  }
0x53: {  	_ =	shalt  }
0x54: {  	_ =	shalt  }
0x55: {  	_ =	shalt  }
0x56: {  	_ =	shalt  }
0x57: {  	_ =	shalt  }
0x58: {  	_ =	shalt  }
0x59: {  	_ =	shalt  }
0x5a: {  	_ =	shalt  }
0x5b: {  	_ =	shalt  }
0x5c: {  	_ =	shalt  }
0x5d: {  	_ =	shalt  }
0x5e: {  	_ =	shalt  }
0x5f: {  	_ =	shalt  }
0x60: {  	_ =	shalt  }
0x61: {  	_ =	shalt  }
0x62: {  	_ =	shalt  }
0x63: {  	_ =	shalt  }
0x64: {  	_ =	shalt  }
0x65: {  	_ =	shalt  }
0x66: {  	_ =	shalt  }
0x67: {  	_ =	shalt  }
0x68: {  	_ =	shalt  }
0x69: {  	_ =	shalt  }
0x6a: {  	_ =	shalt  }
0x6b: {  	_ =	shalt  }
0x6c: {  	_ =	shalt  }
0x6d: {  	_ =	shalt  }
0x6e: {  	_ =	shalt  }
0x6f: {  	_ =	shalt  }
0x70: {  	_ =	shalt  }
0x71: {  	_ =	shalt  }
0x72: {  	_ =	shalt  }
0x73: {  	_ =	shalt  }
0x74: {  	_ =	shalt  }
0x75: {  	_ =	shalt  }
0x76: {  	_ =	shalt  }
0x77: {  	_ =	shalt  }
0x78: {  	_ =	shalt  }
0x79: {  	_ =	shalt  }
0x7a: {  	_ =	shalt  }
0x7b: {  	_ =	shalt  }
0x7c: {  	_ =	shalt  }
0x7d: {  	_ =	shalt  }
0x7e: {  	_ =	shalt  }
0x7f: {  	_ =	shalt  }
0x80: {  	_ =	shalt  }
0x81: {  	_ =	shalt  }
0x82: {  	_ =	shalt  }
0x83: {  	_ =	shalt  }
0x84: {  	_ =	shalt  }
0x85: {  	_ =	shalt  }
0x86: {  	_ =	shalt  }
0x87: {  	_ =	shalt  }
.Lfunc_end0:
.L_simem_size_0:
called_computation.1_lowered:
.L_overlay_start_0:
0x88: {  	s2 =	sld [smem:$0x3FD9]  }
0x89: {  	s3 =	sld [smem:$0x3FFE];
	_ =	sdelay $0x1  }
0x8a: {  	s1 =	srdreg.scid  }
0x8b: {  	s0 =	sand.u32 $0x1, s1  }
0x8c: {  	s17 =	sshll.u32 s0, $0xA;
	s2 =	sadd.s32 s3, s2  }
0x8d: {  	s2 =	sadd.s32 s2, s17  }
0x8e: {  	[smem:$0x3FC2] =	sst s2  }
0x8f: {  	_ = 	snop  }
0x90: {  	s2 =	sld [smem:$0x3FD0];
	(tm) =	ssettm $0x1  }
0x91: {  	s18 =	sld [smem:$0x3FFB];
	_ =	sdelay $0x3  }
0x92: {  	_ =	strace s18  }
0x93: {  	s3 =	sld [smem:$0x3FFC];
	_ =	sdelay $0x3  }
0x94: {  	_ =	strace s3  }
0x95: {  	s3 =	sld [smem:$0x3FFD];
	_ =	sdelay $0x3  }
0x96: {  	_ =	strace s3  }
0x97: {  	_ =	strace $0x8FFFFFFF  }
0x98: {  	s19 =	sld [smem:$0x3FDB];
	_ =	sdelay $0x1  }
0x99: {  	s4 =	simm.s32 $_scs_section_size  }
0x9a: {  	s5 =	simm.s32 $_size__tile_overlayer_lowered;
	s6 =	simm.s32 $_tile_overlayer_lowered  }
0x9b: {  	s22 =	simm.s32 $0x1BFF;
	s21 =	sshll.u32 s6, $0x1;
	s3 =	sadd.s32 s4, s19  }
0x9c: {  	s7 =	simm.s32 $0x0;
	s20 =	sshll.u32 s5, $0x1;
	s5 =	sadd.s32 s21, s3  }
0x9d: {  	[timem:s7], [sflag:s22] =	dma.local [hbm:s5], s20  }
0x9e: {  	_ =	swait.ge [sflag:s22], s20  }
0x9f: {  	s4 =	ssub.s32 $0x0, s20;
	[sflag:s22] =	ssyncset.done $0x0  }
0xa0: {  	[sflag:s22] =	ssyncadd.s32 s4;
	_ =	sdelay $0x1  }
0xa1: {  	s23 =	simm.s32 $0x1B8B  }
0xa2: {  	_ =	swait.ge [sflag:s23], $0x1  }
0xa3: {  	[sflag:s23] =	ssyncset.done $0x0  }
0xa4: {  	s25 =	simm.s32 $0x1B8E;
	s24 =	sld [smem:$0x3FFE];
	[sflag:s23] =	ssyncadd.s32 $0xFFFFFFFF  }
0xa5: {  	s26 =	simm.s32 $execute0_lowered;
	[smem:$0x3FD2] =	sst s25  }
0xa6: {  	s5 =	sshll.u32 s26, $0x1;
	_ =	strace $0x80000046;
	[dreg:$0x1] =	wrdreg $0xFFFFFFFF  }
0xa7: {  	s28 =	simm.s32 $_size_execute0_lowered;
	s3 =	sadd.s32 s3, s5;
	[dreg:$0x0] =	wrdreg $0x0  }
0xa8: {  	s5 =	sshll.u32 s28, $0x1;
	[dreg:$0x2] =	wrdreg s3  }
0xa9: {  	[dreg:$0x3] =	wrdreg s5  }
0xaa: {  	[dreg:$0x4] =	wrdreg $0xC0  }
0xab: {  	_ =	task [dreg:s7], $0x5FFFF  }
0xac: {  	[dreg:$0x1] =	wrdreg $0xFFFFFFFF  }
0xad: {  	[dreg:$0x0] =	wrdreg $0x60  }
0xae: {  	[dreg:$0x2] =	wrdreg s24  }
0xaf: {  	[dreg:$0x3] =	wrdreg s2  }
0xb0: {  	[dreg:$0x4] =	wrdreg $0x9  }
0xb1: {  	_ =	task.clear_ibuf [dreg:s7], $0x5FFFF;
	_ =	strace $0x90000046  }
0xb2: {  	s29 =	simm.s32 $0x9;
	_ =	strace $0x80000048  }
0xb3: {  	_ =	swait.ge [sflag:s29], $0x1  }
0xb4: {  	[sflag:s29] =	ssyncadd.s32 $0xFFFFFFFF  }
0xb5: {  	_ =	strace $0x90000048  }
0xb6: {  	_ =	sfence  }
0xb7: {  	s30 =	sld [smem:$0x0];
	_ =	sdelay $0x2  }
0xb8: {  	s31 =	sshll.u32 s1, $0xD;
	s1 =	sshrl.u32 s1, $0x2  }
0xb9: {  	s3 =	sand.u32 $0x4000, s31;
	s1 =	sadd.s32 s1, s30  }
0xba: {  	s0 =	sor.u32 s3, s0;
	s1 =	sshll.u32 s1, $0x11  }
0xbb: {  	s0 =	sor.u32 s1, s0  }
0xbc: {  	s0 =	sadd.s32 $0x8F2B, s0  }
0xbd: {  	[sflag:s0] =	ssyncadd.remote.s32 $0x1  }
0xbe: {  	_ =	sfence.sel $0xFFFF  }
0xbf: {  	[dreg:$0x0] =	wrdreg $0xFFFFFFFF;
	(pc) =	sbr.abs _section_cstart, $3  }
0xc0: {  	[dreg:$0x1] =	wrdreg $0xFFFFFFFF  }
0xc1: {  	_ =	task.clear_ibuf [dreg:s7], $0x2FFFF;
	_ =	strace $0x9FFFFFFF  }
0xc2: {  	(tm) =	ssettm $0x7FFFFFFF  }
0xc3: {  	_ =	shalt  }
tec
execute0_lowered:
.L_overlay_start_1:
0x0: {  	(tag) =	ssettag $0x1  }
0x1: {  	s0 =	rddreg [dreg:$0x0]  }
0x2: {  	s1 =	rddreg [dreg:$0x1];
	s2 =	simm.s32 $0x0;
	s3 =	srdreg.scid  }
0x3: {  	s10 =	stileid.u32;
	s29 =	simm.s32 $0x348;
	s30 =	simm.s32 $0xD908  }
0x4: {  	s31 =	simm.s32 $0x3C0;
	s4 =	simm.s32 $0x438;
	s28 =	simm.s32 $0x6  }
0x5: {  	s5 =	sand.u32 $0x1, s3;
	s11 =	sshll.u32 s10, $0x1;
	s16 =	smul.u32 $0x11940, s10  }
0x6: {  	s6 =	ssub.s32 $0x2, s5;
	s7 =	sor.u32 s5, s11;
	s5 =	smul.u32 $0x8CA0, s5  }
0x7: {  	[smem:$0x7FF] =	sst s2;
	s3 =	sadd.s32 $0x24600, s0;
	s9 =	smul.u32 $0x8CA0, s7  }
0x8: {  	s18 =	sadd.s32 $0x1200, s0;
	s10 =	simm.s32 $0x4308;
	s13 =	smul.u32 $0x46500, s7  }
0x9: {  	_ =	strace $0x80000047;
	s8 =	sshrl.u32 s6, $0x1;
	s7 =	smul.u32 $0x232800, s7  }
0xa: {  	s12 =	ssub.s32 s6, s8;
	s5 =	sadd.s32 s5, s16;
	s16 =	simm.s32 $0x78  }
0xb: {  	s14 =	sshrl.u32 s9, $0x3;
	s9 =	sadd.s32 $0x258, s9;
	s7 =	sshrl.u32 s7, $0x3  }
0xc: {  	s6 =	sadd.s32 s1, s13;
	s0 =	smax.u32 s12, $0x1;
	s20 =	sadd.s32 $0xBB8, s5  }
0xd: {  	s21 =	sshll.u32 s5, $0x3;
	s22 =	sadd.s32 $0x708, s5;
	s5 =	sadd.s32 $0x960, s5  }
0xe: {  	s12 =	simm.s32 $0x6108;
	s13 =	simm.s32 $0x1E0;
	[dreg:$0x8] =	wrdreg s6  }
0xf: {  	s11 =	sadd.s32 s18, s14;
	s15 =	sshrl.u32 s9, $0x3;
	[dreg:$0xc] =	wrdreg s0  }
0x10: {  	s19 =	sadd.s32 s1, s7;
	s0 =	sshrl.u32 s20, $0x3;
	[dreg:$0xd] =	wrdreg s22  }
0x11: {  	s25 =	sshrl.u32 s5, $0x3;
	s14 =	simm.s32 $0x7F08;
	s20 =	simm.s32 $0xBB08  }
0x12: {  	s9 =	simm.s32 $0x4B0;
	s8 =	sadd.s32 s18, s15;
	[dreg:$0x6] =	wrdreg s11  }
0x13: {  	s5 =	simm.s32 $0x13308;
	s17 =	sadd.s32 $0x96, s11;
	[dreg:$0x7] =	wrdreg s8  }
0x14: {  	s7 =	sadd.s32 $0x43F80, s19;
	s6 =	sadd.s32 $0x45240, s19;
	[dreg:$0x9] =	wrdreg s17  }
0x15: {  	s0 =	sadd.s32 s0, s18;
	s15 =	simm.s32 $0x7;
	[dreg:$0xa] =	wrdreg s7  }
0x16: {  	s11 =	simm.s32 $0x168;
	s19 =	simm.s32 $0x2D0;
	[dreg:$0xb] =	wrdreg s6  }
0x17: {  	s6 =	sadd.s32 s1, s21;
	[dreg:$0xe] =	wrdreg s0;
	s7 =	sshll.u32 s22, $0x3  }
0x18: {  	s17 =	simm.s32 $0x708;
	s8 =	simm.s32 $0x1;
	s0 =	simm.s32 $0x0  }
0x19: {  	s21 =	simm.s32 $0x2;
	s23 =	sadd.s32 $0x2580, s6;
	[dreg:$0x10] =	wrdreg s0  }
0x1a: {  	s22 =	simm.s32 $0x4;
	s24 =	sadd.s32 s7, s1;
	[dreg:$0x3] =	wrdreg s23  }
0x1b: {  	s26 =	sadd.s32 $0x12C0, s6;
	s1 =	sadd.s32 s25, s18;
	[dreg:$0x4] =	wrdreg s24  }
0x1c: {  	s6 =	simm.s32 $0x2508;
	s7 =	simm.s32 $0xF0;
	[dreg:$0xf] =	wrdreg s1  }
0x1d: {  	s25 =	simm.s32 $0x258;
	[dreg:$0x5] =	wrdreg s26;
	s26 =	simm.s32 $0x9D08  }
0x1e: {  	s1 =	simm.s32 $0xF708;
	s23 =	simm.s32 $0x3;
	s24 =	simm.s32 $0x5  }
.LBB2_1:
0x1f: {  	s0 =	rddreg [dreg:$0x6]  }
0x20: {  	[tilespmem:s2], [sflag:$0x7] =	stream.linear.gather [hbm4b:s0+s2], $0x258, $0x38;
	[tilespmem:$0x1C908] =	vst v63  }
0x21: {  	_ =	swait.ge [sflag:s15], $0x258  }
0x22: {  	[sflag:s15] =	ssyncset.done $0x0  }
0x23: {  	[sflag:s15] =	ssyncadd.s32 $0xFFFFFDA8  }
0x24: {  	[tilespmem:s17], [sflag:$0x1] =	stream.indirect.gather [hbm4b:s3+s16], $0x40, s2, s16, $0xb8;
	[tilespmem:$0x1C908] =	vst v63  }
0x25: {  	_ = 	snop  }
0x26: {  	[tilespmem:s6], [sflag:$0x1] =	stream.indirect.gather [hbm4b:s3+s16], $0x40, s16, s16, $0xb8;
	[tilespmem:$0x1C908] =	vst v63  }
0x27: {  	_ = 	snop  }
0x28: {  	[tilespmem:s10], [sflag:$0x1] =	stream.indirect.gather [hbm4b:s3+s16], $0x40, s7, s16, $0xb8;
	[tilespmem:$0x1C908] =	vst v63  }
0x29: {  	_ = 	snop  }
0x2a: {  	[tilespmem:s12], [sflag:$0x1] =	stream.indirect.gather [hbm4b:s3+s16], $0x40, s11, s16, $0xb8;
	[tilespmem:$0x1C908] =	vst v63  }
0x2b: {  	_ = 	snop  }
0x2c: {  	[tilespmem:s14], [sflag:$0x1] =	stream.indirect.gather [hbm4b:s3+s16], $0x40, s13, s16, $0xb8;
	[tilespmem:$0x1C908] =	vst v63  }
0x2d: {  	s0 =	rddreg [dreg:$0x7]  }
0x2e: {  	[tilespmem:s25], [sflag:$0x7] =	stream.linear.gather [hbm4b:s0+s2], $0x258, $0x38;
	[tilespmem:$0x1C908] =	vst v63  }
0x2f: {  	_ =	swait.ge [sflag:s15], $0x258  }
0x30: {  	[sflag:s15] =	ssyncset.done $0x0  }
0x31: {  	[sflag:s15] =	ssyncadd.s32 $0xFFFFFDA8  }
0x32: {  	[tilespmem:s26], [sflag:$0x2] =	stream.indirect.gather [hbm4b:s3+s16], $0x40, s25, s16, $0xb8;
	[tilespmem:$0x1C908] =	vst v63  }
0x33: {  	_ = 	snop  }
0x34: {  	[tilespmem:s20], [sflag:$0x2] =	stream.indirect.gather [hbm4b:s3+s16], $0x40, s19, s16, $0xb8;
	[tilespmem:$0x1C908] =	vst v63  }
0x35: {  	_ = 	snop  }
0x36: {  	[tilespmem:s30], [sflag:$0x2] =	stream.indirect.gather [hbm4b:s3+s16], $0x40, s29, s16, $0xb8;
	[tilespmem:$0x1C908] =	vst v63  }
0x37: {  	_ = 	snop  }
0x38: {  	[tilespmem:s1], [sflag:$0x2] =	stream.indirect.gather [hbm4b:s3+s16], $0x40, s31, s16, $0xb8;
	[tilespmem:$0x1C908] =	vst v63  }
0x39: {  	s1 =	simm.s32 $0x11508  }
0x3a: {  	[tilespmem:s1], [sflag:$0x2] =	stream.indirect.gather [hbm4b:s3+s16], $0x40, s4, s16, $0xb8;
	[tilespmem:$0x1C908] =	vst v63  }
0x3b: {  	_ =	swait.ge [sflag:s8], $0x9600  }
0x3c: {  	[sflag:s8] =	ssyncset.done $0x0  }
0x3d: {  	s1 =	rddreg [dreg:$0x8];
	[sflag:s8] =	ssyncadd.s32 $0xFFFF6A00  }
0x3e: {  	[hbm4b:s1+s2] =	stream.linear.scatter [tilespmem:s17], [sflag:$0x4], $0x9600, $0x38;
	[tilespmem:$0x1C908] =	vst v63  }
0x3f: {  	s4 =	rddreg [dreg:$0x9]  }
0x40: {  	[tilespmem:s9], [sflag:$0x7] =	stream.linear.gather [hbm4b:s4+s2], $0x258, $0x38;
	[tilespmem:$0x1C908] =	vst v63  }
0x41: {  	_ =	swait.ge [sflag:s15], $0x258  }
0x42: {  	[sflag:s15] =	ssyncset.done $0x0  }
0x43: {  	[sflag:s15] =	ssyncadd.s32 $0xFFFFFDA8  }
0x44: {  	[tilespmem:s5], [sflag:$0x3] =	stream.indirect.gather [hbm4b:s3+s16], $0x40, s9, s16, $0xb8;
	[tilespmem:$0x1C908] =	vst v63  }
0x45: {  	s1 =	simm.s32 $0x528;
	s4 =	simm.s32 $0x15108  }
0x46: {  	[tilespmem:s4], [sflag:$0x3] =	stream.indirect.gather [hbm4b:s3+s16], $0x40, s1, s16, $0xb8;
	[tilespmem:$0x1C908] =	vst v63  }
0x47: {  	s1 =	simm.s32 $0x5A0;
	s4 =	simm.s32 $0x16F08  }
0x48: {  	[tilespmem:s4], [sflag:$0x3] =	stream.indirect.gather [hbm4b:s3+s16], $0x40, s1, s16, $0xb8;
	[tilespmem:$0x1C908] =	vst v63  }
0x49: {  	s1 =	simm.s32 $0x618;
	s4 =	simm.s32 $0x18D08  }
0x4a: {  	[tilespmem:s4], [sflag:$0x3] =	stream.indirect.gather [hbm4b:s3+s16], $0x40, s1, s16, $0xb8;
	[tilespmem:$0x1C908] =	vst v63  }
0x4b: {  	s1 =	simm.s32 $0x690;
	s4 =	simm.s32 $0x1AB08  }
0x4c: {  	[tilespmem:s4], [sflag:$0x3] =	stream.indirect.gather [hbm4b:s3+s16], $0x40, s1, s16, $0xb8;
	[tilespmem:$0x1C908] =	vst v63  }
0x4d: {  	_ =	swait.ge [sflag:s21], $0x9600  }
0x4e: {  	s4 =	rddreg [dreg:$0x5];
	[sflag:s21] =	ssyncset.done $0x0  }
0x4f: {  	[sflag:s21] =	ssyncadd.s32 $0xFFFF6A00;
	s0 =	sadd.s32 $0x0, s4  }
0x50: {  	[hbm4b:s0+s2] =	stream.linear.scatter [tilespmem:s26], [sflag:$0x5], $0x9600, $0x38;
	[tilespmem:$0x1C908] =	vst v63  }
0x51: {  	_ =	swait.ge [sflag:s22], $0x9600  }
0x52: {  	s1 =	rddreg [dreg:$0xd]  }
0x53: {  	[sflag:s22] =	ssyncset.done $0x0;
	s0 =	sshrl.u32 s1, $0x3  }
0x54: {  	[sflag:s22] =	ssyncadd.s32 $0xFFFF6A00;
	s0 =	sadd.s32 s18, s0  }
0x55: {  	[tilespmem:s2], [sflag:$0x7] =	stream.linear.gather [hbm4b:s0+s2], $0x258, $0x38;
	[tilespmem:$0x1C908] =	vst v63  }
0x56: {  	_ =	swait.ge [sflag:s15], $0x258  }
0x57: {  	[sflag:s15] =	ssyncset.done $0x0  }
0x58: {  	[sflag:s15] =	ssyncadd.s32 $0xFFFFFDA8  }
0x59: {  	[tilespmem:s17], [sflag:$0x1] =	stream.indirect.gather [hbm4b:s3+s16], $0x40, s2, s16, $0xb8;
	[tilespmem:$0x1C908] =	vst v63  }
0x5a: {  	_ = 	snop  }
0x5b: {  	[tilespmem:s6], [sflag:$0x1] =	stream.indirect.gather [hbm4b:s3+s16], $0x40, s16, s16, $0xb8;
	[tilespmem:$0x1C908] =	vst v63  }
0x5c: {  	_ = 	snop  }
0x5d: {  	[tilespmem:s10], [sflag:$0x1] =	stream.indirect.gather [hbm4b:s3+s16], $0x40, s7, s16, $0xb8;
	[tilespmem:$0x1C908] =	vst v63  }
0x5e: {  	_ = 	snop  }
0x5f: {  	[tilespmem:s12], [sflag:$0x1] =	stream.indirect.gather [hbm4b:s3+s16], $0x40, s11, s16, $0xb8;
	[tilespmem:$0x1C908] =	vst v63  }
0x60: {  	_ = 	snop  }
0x61: {  	[tilespmem:s14], [sflag:$0x1] =	stream.indirect.gather [hbm4b:s3+s16], $0x40, s13, s16, $0xb8;
	[tilespmem:$0x1C908] =	vst v63  }
0x62: {  	_ =	swait.ge [sflag:s23], $0x9600  }
0x63: {  	s13 =	rddreg [dreg:$0x3];
	[sflag:s23] =	ssyncset.done $0x0  }
0x64: {  	[sflag:s23] =	ssyncadd.s32 $0xFFFF6A00;
	s0 =	sadd.s32 $0x0, s13  }
0x65: {  	[hbm4b:s0+s2] =	stream.linear.scatter [tilespmem:s5], [sflag:$0x6], $0x9600, $0x38;
	[tilespmem:$0x1C908] =	vst v63  }
0x66: {  	_ =	swait.ge [sflag:s24], $0x9600  }
0x67: {  	[sflag:s24] =	ssyncset.done $0x0  }
0x68: {  	s6 =	rddreg [dreg:$0xf];
	[sflag:s24] =	ssyncadd.s32 $0xFFFF6A00  }
0x69: {  	[tilespmem:s25], [sflag:$0x7] =	stream.linear.gather [hbm4b:s6+s2], $0x258, $0x38;
	[tilespmem:$0x1C908] =	vst v63  }
0x6a: {  	_ =	swait.ge [sflag:s15], $0x258  }
0x6b: {  	[sflag:s15] =	ssyncset.done $0x0  }
0x6c: {  	[sflag:s15] =	ssyncadd.s32 $0xFFFFFDA8  }
0x6d: {  	[tilespmem:s26], [sflag:$0x2] =	stream.indirect.gather [hbm4b:s3+s16], $0x40, s25, s16, $0xb8;
	[tilespmem:$0x1C908] =	vst v63  }
0x6e: {  	_ = 	snop  }
0x6f: {  	[tilespmem:s20], [sflag:$0x2] =	stream.indirect.gather [hbm4b:s3+s16], $0x40, s19, s16, $0xb8;
	[tilespmem:$0x1C908] =	vst v63  }
0x70: {  	_ = 	snop  }
0x71: {  	[tilespmem:s30], [sflag:$0x2] =	stream.indirect.gather [hbm4b:s3+s16], $0x40, s29, s16, $0xb8;
	[tilespmem:$0x1C908] =	vst v63  }
0x72: {  	s4 =	simm.s32 $0xF708  }
0x73: {  	[tilespmem:s4], [sflag:$0x2] =	stream.indirect.gather [hbm4b:s3+s16], $0x40, s31, s16, $0xb8;
	[tilespmem:$0x1C908] =	vst v63  }
0x74: {  	s14 =	simm.s32 $0x438;
	s20 =	simm.s32 $0x11508  }
0x75: {  	[tilespmem:s20], [sflag:$0x2] =	stream.indirect.gather [hbm4b:s3+s16], $0x40, s14, s16, $0xb8;
	[tilespmem:$0x1C908] =	vst v63  }
0x76: {  	_ =	swait.ge [sflag:s8], $0x9600  }
0x77: {  	s7 =	rddreg [dreg:$0x4];
	[sflag:s8] =	ssyncset.done $0x0  }
0x78: {  	[sflag:s8] =	ssyncadd.s32 $0xFFFF6A00;
	s0 =	sadd.s32 $0x0, s7  }
0x79: {  	[hbm4b:s0+s2] =	stream.linear.scatter [tilespmem:s17], [sflag:$0x4], $0x9600, $0x38;
	[tilespmem:$0x1C908] =	vst v63  }
0x7a: {  	_ =	swait.ge [sflag:s28], $0x9600  }
0x7b: {  	[sflag:s28] =	ssyncset.done $0x0  }
0x7c: {  	s0 =	rddreg [dreg:$0xe];
	[sflag:s28] =	ssyncadd.s32 $0xFFFF6A00  }
0x7d: {  	[tilespmem:s9], [sflag:$0x7] =	stream.linear.gather [hbm4b:s0+s2], $0x258, $0x38;
	[tilespmem:$0x1C908] =	vst v63  }
0x7e: {  	s10 =	simm.s32 $0x528;
	s11 =	simm.s32 $0x15108;
	_ =	swait.ge [sflag:s15], $0x258  }
0x7f: {  	s12 =	simm.s32 $0x5A0;
	s13 =	simm.s32 $0x16F08;
	[sflag:s15] =	ssyncset.done $0x0  }
0x80: {  	s19 =	simm.s32 $0x618;
	s29 =	simm.s32 $0x3840;
	[sflag:s15] =	ssyncadd.s32 $0xFFFFFDA8  }
0x81: {  	[tilespmem:s5], [sflag:$0x3] =	stream.indirect.gather [hbm4b:s3+s16], $0x40, s9, s16, $0xb8;
	[tilespmem:$0x1C908] =	vst v63  }
0x82: {  	s4 =	simm.s32 $0x618;
	s31 =	sadd.s32 $0xE1, s6;
	s14 =	simm.s32 $0x16F08  }
0x83: {  	[tilespmem:s11], [sflag:$0x3] =	stream.indirect.gather [hbm4b:s3+s16], $0x40, s10, s16, $0xb8;
	[tilespmem:$0x1C908] =	vst v63  }
0x84: {  	s20 =	simm.s32 $0x18D08;
	s7 =	simm.s32 $0x348;
	s30 =	sadd.s32 $0xE1, s0  }
0x85: {  	[tilespmem:s14], [sflag:$0x3] =	stream.indirect.gather [hbm4b:s3+s16], $0x40, s12, s16, $0xb8;
	[tilespmem:$0x1C908] =	vst v63  }
0x86: {  	s0 =	sadd.s32 $0x708, s1;
	s11 =	simm.s32 $0xD908;
	s14 =	simm.s32 $0x18D08  }
0x87: {  	[tilespmem:s20], [sflag:$0x3] =	stream.indirect.gather [hbm4b:s3+s16], $0x40, s19, s16, $0xb8;
	[tilespmem:$0x1C908] =	vst v63  }
0x88: {  	s12 =	simm.s32 $0x3C0;
	s19 =	simm.s32 $0x2D0;
	s20 =	simm.s32 $0xBB08  }
.LBB2_2:
0x89: {  	s1 =	simm.s32 $0x690;
	s6 =	simm.s32 $0x1AB08  }
0x8a: {  	[tilespmem:s6], [sflag:$0x3] =	stream.indirect.gather [hbm4b:s3+s16], $0x40, s1, s16, $0xb8;
	[tilespmem:$0x1C908] =	vst v63  }
0x8b: {  	_ =	swait.ge [sflag:s21], $0x9600  }
0x8c: {  	s1 =	smov.u32 s29;
	s10 =	rddreg [dreg:$0x5];
	[sflag:s21] =	ssyncset.done $0x0  }
0x8d: {  	[sflag:s21] =	ssyncadd.s32 $0xFFFF6A00;
	s6 =	sadd.s32 s1, s10  }
0x8e: {  	[hbm4b:s6+s2] =	stream.linear.scatter [tilespmem:s26], [sflag:$0x5], $0x9600, $0x38;
	[tilespmem:$0x1C908] =	vst v63  }
0x8f: {  	_ =	swait.ge [sflag:s22], $0x9600  }
0x90: {  	s10 =	sshrl.u32 s0, $0x3;
	[sflag:s22] =	ssyncset.done $0x0  }
0x91: {  	s6 =	sadd.s32 s18, s10;
	[sflag:s22] =	ssyncadd.s32 $0xFFFF6A00  }
0x92: {  	[tilespmem:s2], [sflag:$0x7] =	stream.linear.gather [hbm4b:s6+s2], $0x258, $0x38;
	[tilespmem:$0x1C908] =	vst v63  }
0x93: {  	_ =	swait.ge [sflag:s15], $0x258  }
0x94: {  	[sflag:s15] =	ssyncset.done $0x0  }
0x95: {  	[sflag:s15] =	ssyncadd.s32 $0xFFFFFDA8  }
0x96: {  	[tilespmem:s17], [sflag:$0x1] =	stream.indirect.gather [hbm4b:s3+s16], $0x40, s2, s16, $0xb8;
	[tilespmem:$0x1C908] =	vst v63  }
0x97: {  	s10 =	simm.s32 $0x2508  }
0x98: {  	[tilespmem:s10], [sflag:$0x1] =	stream.indirect.gather [hbm4b:s3+s16], $0x40, s16, s16, $0xb8;
	[tilespmem:$0x1C908] =	vst v63  }
0x99: {  	s6 =	simm.s32 $0x4308;
	s10 =	simm.s32 $0xF0  }
0x9a: {  	[tilespmem:s6], [sflag:$0x1] =	stream.indirect.gather [hbm4b:s3+s16], $0x40, s10, s16, $0xb8;
	[tilespmem:$0x1C908] =	vst v63  }
0x9b: {  	s6 =	simm.s32 $0x6108;
	s10 =	simm.s32 $0x168  }
0x9c: {  	[tilespmem:s6], [sflag:$0x1] =	stream.indirect.gather [hbm4b:s3+s16], $0x40, s10, s16, $0xb8;
	[tilespmem:$0x1C908] =	vst v63  }
0x9d: {  	s6 =	simm.s32 $0x7F08;
	s10 =	simm.s32 $0x1E0  }
0x9e: {  	[tilespmem:s6], [sflag:$0x1] =	stream.indirect.gather [hbm4b:s3+s16], $0x40, s10, s16, $0xb8;
	[tilespmem:$0x1C908] =	vst v63  }
0x9f: {  	_ =	swait.ge [sflag:s23], $0x9600  }
0xa0: {  	s10 =	rddreg [dreg:$0x3];
	[sflag:s23] =	ssyncset.done $0x0  }
0xa1: {  	[sflag:s23] =	ssyncadd.s32 $0xFFFF6A00;
	s6 =	sadd.s32 s1, s10  }
0xa2: {  	[hbm4b:s6+s2] =	stream.linear.scatter [tilespmem:s5], [sflag:$0x6], $0x9600, $0x38;
	[tilespmem:$0x1C908] =	vst v63  }
0xa3: {  	_ =	swait.ge [sflag:s24], $0x9600  }
0xa4: {  	[sflag:s24] =	ssyncset.done $0x0  }
0xa5: {  	[sflag:s24] =	ssyncadd.s32 $0xFFFF6A00  }
0xa6: {  	[tilespmem:s25], [sflag:$0x7] =	stream.linear.gather [hbm4b:s31+s2], $0x258, $0x38;
	[tilespmem:$0x1C908] =	vst v63  }
0xa7: {  	_ =	swait.ge [sflag:s15], $0x258  }
0xa8: {  	[sflag:s15] =	ssyncset.done $0x0  }
0xa9: {  	[sflag:s15] =	ssyncadd.s32 $0xFFFFFDA8  }
0xaa: {  	[tilespmem:s26], [sflag:$0x2] =	stream.indirect.gather [hbm4b:s3+s16], $0x40, s25, s16, $0xb8;
	[tilespmem:$0x1C908] =	vst v63  }
0xab: {  	_ = 	snop  }
0xac: {  	[tilespmem:s20], [sflag:$0x2] =	stream.indirect.gather [hbm4b:s3+s16], $0x40, s19, s16, $0xb8;
	[tilespmem:$0x1C908] =	vst v63  }
0xad: {  	_ = 	snop  }
0xae: {  	[tilespmem:s11], [sflag:$0x2] =	stream.indirect.gather [hbm4b:s3+s16], $0x40, s7, s16, $0xb8;
	[tilespmem:$0x1C908] =	vst v63  }
0xaf: {  	s10 =	simm.s32 $0xF708  }
0xb0: {  	[tilespmem:s10], [sflag:$0x2] =	stream.indirect.gather [hbm4b:s3+s16], $0x40, s12, s16, $0xb8;
	[tilespmem:$0x1C908] =	vst v63  }
0xb1: {  	s6 =	simm.s32 $0x11508;
	s10 =	simm.s32 $0x438  }
0xb2: {  	[tilespmem:s6], [sflag:$0x2] =	stream.indirect.gather [hbm4b:s3+s16], $0x40, s10, s16, $0xb8;
	[tilespmem:$0x1C908] =	vst v63  }
0xb3: {  	_ =	swait.ge [sflag:s8], $0x9600  }
0xb4: {  	s10 =	rddreg [dreg:$0x4];
	[sflag:s8] =	ssyncset.done $0x0  }
0xb5: {  	[sflag:s8] =	ssyncadd.s32 $0xFFFF6A00;
	s1 =	sadd.s32 s1, s10  }
0xb6: {  	[hbm4b:s1+s2] =	stream.linear.scatter [tilespmem:s17], [sflag:$0x4], $0x9600, $0x38;
	[tilespmem:$0x1C908] =	vst v63  }
0xb7: {  	_ =	swait.ge [sflag:s28], $0x9600  }
0xb8: {  	[sflag:s28] =	ssyncset.done $0x0  }
0xb9: {  	[sflag:s28] =	ssyncadd.s32 $0xFFFF6A00  }
0xba: {  	[tilespmem:s9], [sflag:$0x7] =	stream.linear.gather [hbm4b:s30+s2], $0x258, $0x38;
	[tilespmem:$0x1C908] =	vst v63  }
0xbb: {  	_ =	swait.ge [sflag:s15], $0x258  }
0xbc: {  	[sflag:s15] =	ssyncset.done $0x0  }
0xbd: {  	[sflag:s15] =	ssyncadd.s32 $0xFFFFFDA8  }
0xbe: {  	[tilespmem:s5], [sflag:$0x3] =	stream.indirect.gather [hbm4b:s3+s16], $0x40, s9, s16, $0xb8;
	[tilespmem:$0x1C908] =	vst v63  }
0xbf: {  	p0 =	sne.s32 s29, $0x3F480;
	s6 =	simm.s32 $0x528;
	s10 =	simm.s32 $0x15108  }
0xc0: {  	[tilespmem:s10], [sflag:$0x3] =	stream.indirect.gather [hbm4b:s3+s16], $0x40, s6, s16, $0xb8;
	[tilespmem:$0x1C908] =	vst v63  }
.Ltmp0:
0xc1: {  	_ = 	snop;
	(pc) =	sbr.rel @p0 .LBB2_2-.Ltmp0, $4  }
0xc2: {  	s29 =	sadd.s32 $0x3840, s29;
	s10 =	simm.s32 $0x5A0  }
0xc3: {  	[tilespmem:s13], [sflag:$0x3] =	stream.indirect.gather [hbm4b:s3+s16], $0x40, s10, s16, $0xb8;
	[tilespmem:$0x1C908] =	vst v63  }
0xc4: {  	s0 =	sadd.s32 $0x708, s0;
	s31 =	sadd.s32 $0xE1, s31;
	s30 =	sadd.s32 $0xE1, s30  }
0xc5: {  	[tilespmem:s14], [sflag:$0x3] =	stream.indirect.gather [hbm4b:s3+s16], $0x40, s4, s16, $0xb8;
	[tilespmem:$0x1C908] =	vst v63  }
0xc6: {  	s0 =	simm.s32 $0x690;
	s1 =	simm.s32 $0x1AB08  }
0xc7: {  	[tilespmem:s1], [sflag:$0x3] =	stream.indirect.gather [hbm4b:s3+s16], $0x40, s0, s16, $0xb8;
	[tilespmem:$0x1C908] =	vst v63  }
0xc8: {  	_ =	swait.ge [sflag:s21], $0x9600  }
0xc9: {  	[sflag:s21] =	ssyncset.done $0x0  }
0xca: {  	s13 =	rddreg [dreg:$0xa];
	[sflag:s21] =	ssyncadd.s32 $0xFFFF6A00  }
0xcb: {  	[hbm4b:s13+s2] =	stream.linear.scatter [tilespmem:s26], [sflag:$0x5], $0x9600, $0x38;
	[tilespmem:$0x1C908] =	vst v63  }
0xcc: {  	_ =	swait.ge [sflag:s23], $0x9600  }
0xcd: {  	[sflag:s23] =	ssyncset.done $0x0  }
0xce: {  	s14 =	rddreg [dreg:$0xb];
	[sflag:s23] =	ssyncadd.s32 $0xFFFF6A00  }
0xcf: {  	[hbm4b:s14+s2] =	stream.linear.scatter [tilespmem:s5], [sflag:$0x6], $0x9600, $0x38;
	[tilespmem:$0x1C908] =	vst v63  }
0xd0: {  	_ =	swait.ge [sflag:s22], $0x9600  }
0xd1: {  	[sflag:s22] =	ssyncset.done $0x0  }
0xd2: {  	[sflag:s22] =	ssyncadd.s32 $0xFFFF6A00  }
0xd3: {  	_ =	swait.ge [sflag:s24], $0x9600  }
0xd4: {  	[sflag:s24] =	ssyncset.done $0x0  }
0xd5: {  	[sflag:s24] =	ssyncadd.s32 $0xFFFF6A00  }
0xd6: {  	_ =	swait.ge [sflag:s28], $0x9600  }
0xd7: {  	s19 =	rddreg [dreg:$0x10]  }
0xd8: {  	s6 =	simm.s32 $0x2508;
	s20 =	rddreg [dreg:$0xc];
	s1 =	sadd.s32 $0x1, s19  }
0xd9: {  	s7 =	simm.s32 $0xF0;
	s10 =	simm.s32 $0x4308;
	p0 =	sne.s32 s1, s20  }
.Ltmp1:
0xda: {  	s11 =	simm.s32 $0x168;
	s12 =	simm.s32 $0x6108;
	(pc) =	sbr.rel @p0 .LBB2_1-.Ltmp1, $4  }
0xdb: {  	s29 =	simm.s32 $0x348;
	s30 =	simm.s32 $0xD908;
	s31 =	simm.s32 $0x3C0  }
0xdc: {  	s4 =	simm.s32 $0x438;
	s13 =	simm.s32 $0x1E0;
	[sflag:s28] =	ssyncset.done $0x0  }
0xdd: {  	s14 =	simm.s32 $0x7F08;
	[sflag:s28] =	ssyncadd.s32 $0xFFFF6A00;
	s19 =	simm.s32 $0x2D0  }
0xde: {  	[dreg:$0x10] =	wrdreg s1;
	s20 =	simm.s32 $0xBB08;
	s1 =	simm.s32 $0xF708  }
0xdf: {  	_ =	sfence.sel $0x180000  }
0xe0: {  	[bflag:$0x0] =	sbarrier.arrive $0xFFFF  }
0xe1: {  	_ =	strace $0x90000047  }
0xe2: {  	s0 =	stileid.u32;
	[bflag:$0x2] =	sbarrier.arrive $0xFFFF  }
0xe3: {  	p0 =	sne.s32 s0, $0x0;
	s0 =	rddreg [dreg:$0x2]  }
0xe4: {  	s0 =	sadd.s32 @!p0 $0x100000, s0  }
0xe5: {  	[sflag:s0] =	ssyncadd.tile.s32 @!p0 $0x1;
	_ =	shalt  }
.Lfunc_end2:
_tile_overlayer_lowered:
.L_overlay_start_2:
0xe6: {  	(tag) =	ssettag $0x2  }
0xe7: {  	s0 =	rddreg [dreg:$0x0];
	s2 =	stileid.u32  }
0xe8: {  	s1 =	rddreg [dreg:$0x1];
	p0 =	sne.s32 s2, $0x0  }
0xe9: {  	s3 =	rddreg [dreg:$0x2];
	[bflag:$0x3] =	sbarrier.arrive $0xFFFF;
	s2 =	simm.s32 @!p0 $0x1C07  }
0xea: {  	[timem:s3], [sflag:s2] =	dma.local @!p0 [hbm:s0], s1  }
0xeb: {  	s0 =	simm.s32 @!p0 $0x7  }
0xec: {  	_ =	swait.ge @!p0 [sflag:s0], s1  }
0xed: {  	s1 =	ssub.s32 @!p0 $0x0, s1;
	[sflag:s0] =	ssyncset.done @!p0 $0x0  }
0xee: {  	[sflag:s0] =	ssyncadd.s32 @!p0 s1  }
0xef: {  	[bflag:$0x3] =	sbarrier.arrive $0xFFFF  }
0xf0: {  	_ =	shalt  }

// kernel: sparse-core-data-format-call.cloned.1.call-start
scs
called_computation_lowered:
.L_overlay_start_0:
0x0: {  	s2 =	sld [smem:$0x3FD9]  }
0x1: {  	s3 =	sld [smem:$0x3FFE];
	_ =	sdelay $0x1  }
0x2: {  	s1 =	srdreg.scid  }
0x3: {  	s0 =	sand.u32 $0x1, s1  }
0x4: {  	s18 =	sshll.u32 s0, $0xA;
	s2 =	sadd.s32 s3, s2  }
0x5: {  	s2 =	sadd.s32 s2, s18  }
0x6: {  	[smem:$0x3FC2] =	sst s2  }
0x7: {  	_ = 	snop  }
0x8: {  	s2 =	sld [smem:$0x3FD0];
	(tm) =	ssettm $0x1  }
0x9: {  	s19 =	sld [smem:$0x3FFB];
	_ =	sdelay $0x3  }
0xa: {  	_ =	strace s19  }
0xb: {  	s3 =	sld [smem:$0x3FFC];
	_ =	sdelay $0x3  }
0xc: {  	_ =	strace s3  }
0xd: {  	s3 =	sld [smem:$0x3FFD];
	_ =	sdelay $0x3  }
0xe: {  	_ =	strace s3  }
0xf: {  	_ =	strace $0x8FFFFFFF  }
0x10: {  	s20 =	sld [smem:$0x3FDB];
	_ =	sdelay $0x1  }
0x11: {  	s4 =	simm.s32 $_scs_section_size  }
0x12: {  	s5 =	simm.s32 $_size__tile_overlayer_lowered;
	s6 =	simm.s32 $_tile_overlayer_lowered  }
0x13: {  	s23 =	simm.s32 $0x1BFF;
	s22 =	sshll.u32 s6, $0x1;
	s3 =	sadd.s32 s4, s20  }
0x14: {  	s7 =	simm.s32 $0x0;
	s21 =	sshll.u32 s5, $0x1;
	s5 =	sadd.s32 s22, s3  }
0x15: {  	[timem:s7], [sflag:s23] =	dma.local [hbm:s5], s21  }
0x16: {  	_ =	swait.ge [sflag:s23], s21  }
0x17: {  	s4 =	ssub.s32 $0x0, s21;
	[sflag:s23] =	ssyncset.done $0x0  }
0x18: {  	[sflag:s23] =	ssyncadd.s32 s4;
	_ =	sdelay $0x1  }
0x19: {  	s24 =	simm.s32 $0x1B8B  }
0x1a: {  	_ =	swait.ge [sflag:s24], $0x1  }
0x1b: {  	[sflag:s24] =	ssyncset.done $0x0  }
0x1c: {  	s26 =	simm.s32 $0x1B8E;
	s25 =	sld [smem:$0x3FFE];
	[sflag:s24] =	ssyncadd.s32 $0xFFFFFFFF  }
0x1d: {  	s27 =	simm.s32 $execute0_lowered;
	[smem:$0x3FD2] =	sst s26  }
0x1e: {  	s5 =	sshll.u32 s27, $0x1;
	_ =	strace $0x80000049;
	[dreg:$0x1] =	wrdreg $0xFFFFFFFF  }
0x1f: {  	s28 =	simm.s32 $_size_execute0_lowered;
	s3 =	sadd.s32 s3, s5;
	[dreg:$0x0] =	wrdreg $0x0  }
0x20: {  	s5 =	sshll.u32 s28, $0x1;
	[dreg:$0x2] =	wrdreg s3  }
0x21: {  	[dreg:$0x3] =	wrdreg s5  }
0x22: {  	[dreg:$0x4] =	wrdreg $0xC0  }
0x23: {  	_ =	task [dreg:s7], $0x5FFFF  }
0x24: {  	[dreg:$0x1] =	wrdreg $0xFFFFFFFF  }
0x25: {  	[dreg:$0x0] =	wrdreg $0x60  }
0x26: {  	[dreg:$0x2] =	wrdreg s25  }
0x27: {  	[dreg:$0x3] =	wrdreg s2  }
0x28: {  	[dreg:$0x4] =	wrdreg $0x9  }
0x29: {  	_ =	task.clear_ibuf [dreg:s7], $0x5FFFF;
	_ =	strace $0x90000049  }
0x2a: {  	s29 =	simm.s32 $0x9;
	_ =	strace $0x8000004B  }
0x2b: {  	_ =	swait.ge [sflag:s29], $0x1  }
0x2c: {  	[sflag:s29] =	ssyncadd.s32 $0xFFFFFFFF  }
0x2d: {  	_ =	strace $0x9000004B  }
0x2e: {  	_ =	sfence  }
0x2f: {  	s30 =	sld [smem:$0x0];
	_ =	sdelay $0x2  }
0x30: {  	s31 =	sshll.u32 s1, $0xD;
	s1 =	sshrl.u32 s1, $0x2  }
0x31: {  	s3 =	sand.u32 $0x4000, s31;
	s1 =	sadd.s32 s1, s30  }
0x32: {  	s0 =	sor.u32 s3, s0;
	s1 =	sshll.u32 s1, $0x11  }
0x33: {  	s0 =	sor.u32 s1, s0  }
0x34: {  	s0 =	sadd.s32 $0x8F2B, s0  }
0x35: {  	[sflag:s0] =	ssyncadd.remote.s32 $0x1  }
0x36: {  	_ =	sfence.sel $0xFFFF  }
0x37: {  	[dreg:$0x0] =	wrdreg $0xFFFFFFFF;
	(pc) =	sbr.abs _section_cstart, $3  }
0x38: {  	[dreg:$0x1] =	wrdreg $0xFFFFFFFF  }
0x39: {  	_ =	task.clear_ibuf [dreg:s7], $0x2FFFF;
	_ =	strace $0x9FFFFFFF  }
0x3a: {  	(tm) =	ssettm $0x7FFFFFFF  }
0x3b: {  	_ =	shalt  }
tec
execute0_lowered:
.L_overlay_start_1:
0x0: {  	(tag) =	ssettag $0x1  }
0x1: {  	s0 =	srdreg.scid  }
0x2: {  	s1 =	sshll.u32 s0, $0x4  }
0x3: {  	s6 =	rddreg [dreg:$0x0];
	s0 =	stileid.u32;
	s1 =	sand.u32 $0x10, s1  }
0x4: {  	s3 =	rddreg [dreg:$0x1];
	s7 =	simm.s32 $0x2;
	s2 =	sor.u32 s0, s1  }
0x5: {  	s13 =	simm.s32 $0x0;
	s15 =	simm.s32 $0x0;
	s1 =	ssub.s32 $0x1E, s2  }
0x6: {  	s16 =	simm.s32 $0x0;
	s14 =	simm.s32 $0x0;
	p0 =	sgt.s32 s1, $0x0  }
0x7: {  	s8 =	simm.s32 $0x0;
	s10 =	simm.s32 $0x0;
	s1 =	simm.s32 @!p0 $0x0  }
.Ltmp0:
0x8: {  	s11 =	simm.s32 $0x0;
	s4 =	sadd.s32 $0x1F, s1;
	(pc) =	sbr.rel .LBB1_1-.Ltmp0, $4  }
0x9: {  	s12 =	simm.s32 $0x0;
	s1 =	rddreg [dreg:$0x2];
	s5 =	sshrl.u32 s4, $0x5  }
0xa: {  	_ =	strace $0x8000004A;
	s4 =	simm.s32 $0x1;
	s5 =	smul.u32 $0x12C, s5  }
0xb: {  	s6 =	sadd.s32 $0x1200, s6;
	s9 =	smov.u32 s2;
	[sflag:s4] =	ssyncpa.u1 $0x0  }
0xc: {  	p0 =	por $0x0, $0x0;
	[sflag:s7] =	ssyncpa.u1 $0x0;
	s7 =	sor.u32 $0x1, s5  }
.LBB1_4:
0xd: {  	s19 =	sand.u32 $0x380, s14;
	s16 =	smul.u32 $0xE1000, s16  }
0xe: {  	s20 =	sshrl.u32 s14, $0x3;
	s19 =	sadd.s32 s3, s19  }
0xf: {  	s15 =	smul.u32 $0x7800, s15;
	s20 =	sand.u32 $0xF, s20;
	s16 =	sadd.s32 s16, s19  }
0x10: {  	[tilespmem:s18+$0x810 ss:$0x81] =	vst.msk $0xffff, v2;
	s16 =	sadd.s32 s20, s16  }
0x11: {  	[tilespmem:s18+$0x1020 ss:$0x81] =	vst.msk $0xffff, v0;
	s13 =	sshll.u32 s13, $0xA;
	s15 =	sadd.s32 s15, s16  }
0x12: {  	[tilespmem:s18+$0x0 ss:$0x81] =	vst.msk $0xffff, v1;
	s31 =	sand.u32 $0x7, s14;
	s13 =	sadd.s32 s13, s15  }
0x13: {  	[hbm4b:s13+s31] =	stream.linear.scatter [tilespmem:s17], [sflag:$0x2], $0x2000, $0x20;
	[tilespmem:$0x8080] =	vst v63  }
.LBB1_5:
0x14: {  	s17 =	sadd.s32 $0x1, s8  }
0x15: {  	s13 =	sadd.s32 $0x20, s9;
	s18 =	smov.u32 s9;
	p2 =	sgt.s32 s17, $0x1D  }
0x16: {  	s18 =	smov.u32 @p2 s13  }
0x17: {  	s13 =	simm.s32 $0x1;
	p3 =	sgt.s32 s18, $0x1D  }
0x18: {  	s13 =	simm.s32 @!p3 $0x0  }
0x19: {  	s19 =	sadd.s32 s13, s10  }
0x1a: {  	s20 =	smov.u32 s11;
	s13 =	sadd.s32 $0x80, s11;
	p4 =	sgt.s32 s19, $0x9  }
0x1b: {  	p1 =	slt.u32 s12, $0x2;
	s20 =	smov.u32 @p4 s13  }
0x1c: {  	s15 =	smov.u32 s9;
	s17 =	simm.s32 @p2 $0x0;
	p2 =	sgt.s32 s20, $0x7F  }
0x1d: {  	s21 =	simm.s32 @!p1 $0x2;
	s20 =	simm.s32 @p2 $0x0;
	p2 =	sne.s32 s12, s7  }
.Ltmp1:
0x1e: {  	s16 =	smov.u32 s10;
	_ =	swait.ge @!p1 [sflag:s21], $0x2000;
	(pc) =	sbr.rel @!p2 .LBB1_6-.Ltmp1, $4  }
0x1f: {  	s14 =	smov.u32 s11;
	[sflag:s21] =	ssyncset.done @!p1 $0x0;
	s18 =	smov.u32 @p3 s2  }
0x20: {  	p0 =	por !p0, !p0;
	[sflag:s21] =	ssyncadd.s32 @!p1 $0xFFFFE000;
	s9 =	smov.u32 s18  }
0x21: {  	s19 =	simm.s32 @p4 $0x0;
	s13 =	smov.u32 s8;
	s8 =	smov.u32 s17  }
0x22: {  	s10 =	smov.u32 s19;
	s12 =	sadd.s32 $0x1, s12;
	s11 =	smov.u32 s20  }
.LBB1_1:
0x23: {  	p1 =	sge.u32 s12, s5  }
0x24: {  	s17 =	smul.u32 @!p1 $0x25800, s11  }
0x25: {  	s31 =	sadd.s32 $0xFFFFFFFF, s12;
	s19 =	smul.u32 @!p1 $0x3C00, s10  }
0x26: {  	s18 =	sxor.u32 @!p1 $0xFFFFFFFF, s12;
	s20 =	sshll.u32 @!p1 s9, $0x9;
	s17 =	sadd.s32 @!p1 s6, s17  }
0x27: {  	s21 =	sshll.u32 @!p1 s8, $0x4;
	s18 =	sshll.u32 @!p1 s18, $0xD;
	s17 =	sadd.s32 @!p1 s19, s17  }
0x28: {  	s18 =	sand.u32 @!p1 $0x2000, s18;
	s19 =	sand.u32 @!p1 $0x1F0, s21;
	s17 =	sadd.s32 @!p1 s20, s17  }
0x29: {  	s20 =	simm.s32 @!p1 $0x12C000;
	s17 =	sadd.s32 @!p1 s19, s17;
	s19 =	simm.s32 @!p1 $0x40  }
0x2a: {  	[tilespmem:s18], [sflag:$0x1] =	stream.strided.gather @!p1 [hbm4b:s17+s19], $0x2000, s20, s19, $0x38;
	[tilespmem:$0x8080] =	vst v63  }
0x2b: {  	p1 =	sge.u32 s31, s5  }
.Ltmp2:
0x2c: {  	_ = 	snop;
	(pc) =	sbr.rel @p1 .LBB1_5-.Ltmp2, $1  }
0x2d: {  	_ =	sdelay $0x3  }
0x2e: {  	s17 =	simm.s32 $0x1  }
0x2f: {  	_ =	swait.ge [sflag:s4], $0x2000;
	s17 =	simm.s32 @!p0 $0x0  }
0x30: {  	[sflag:s4] =	ssyncset.done $0x0;
	s18 =	sshll.u32 s17, $0xD  }
0x31: {  	[sflag:s4] =	ssyncadd.s32 $0xFFFFE000;
	s21 =	sor.u32 $0x20, s18  }
0x32: {  	s17 =	smul.u32 $0x8100, s17;
	v3 =	vld [tilespmem:s21+$0x10]  }
0x33: {  	s30 =	sand.u32 $0x1, s12;
	v2 =	vld [tilespmem:s21+$0xFFFFFFF0]  }
0x34: {  	s18 =	smul.u32 $0x8100, s30;
	s17 =	sshrl.u32 s17, $0x2;
	v0 =	vld [tilespmem:s21+$0x0]  }
0x35: {  	v1 =	vld [tilespmem:s21+$0xFFFFFFE0];
	s19 =	sor.u32 $0x4000, s17  }
0x36: {  	s31 =	sshrl.u32 s18, $0x2;
	s18 =	sadd.s32 $0x0, s19  }
0x37: {  	s20 =	simm.s32 $0x4;
	s21 =	sadd.s32 $0x40, s21;
	s17 =	sor.u32 $0x4000, s31;
	[tilespmem:s18+$0x1830 ss:$0x81] =	vst.msk $0xffff, v3  }
.LBB1_3:
0x38: {  	v3 =	vld [tilespmem:s21+$0x10];
	p1 =	sne.s32 s20, $0x1FC;
	[tilespmem:s18+$0x810 ss:$0x81] =	vst.msk $0xffff, v2;
	s22 =	smov.u32 s20;
	s20 =	sadd.s32 $0x4, s20  }
.Ltmp3:
0x39: {  	v2 =	vld [tilespmem:s21+$0xFFFFFFF0];
	[tilespmem:s18+$0x1020 ss:$0x81] =	vst.msk $0xffff, v0;
	(pc) =	sbr.rel @p1 .LBB1_3-.Ltmp3, $4  }
0x3a: {  	v0 =	vld [tilespmem:s21+$0x0];
	[tilespmem:s18+$0x0 ss:$0x81] =	vst.msk $0xffff, v1  }
0x3b: {  	s18 =	sshra.s32 s22, $0x2;
	v1 =	vld [tilespmem:s21+$0xFFFFFFE0]  }
0x3c: {  	s18 =	sadd.s32 s18, s19  }
0x3d: {  	s21 =	sadd.s32 $0x40, s21;
	[tilespmem:s18+$0x1830 ss:$0x81] =	vst.msk $0xffff, v3  }
.Ltmp4:
0x3e: {  	_ = 	snop;
	(pc) =	sbr.rel .LBB1_4-.Ltmp4, $1  }
0x3f: {  	_ =	sdelay $0x3  }
.LBB1_6:
0x40: {  	_ =	sfence.sel $0x180000  }
0x41: {  	s2 =	simm.s32 $0x1;
	[bflag:$0x0] =	sbarrier.arrive $0xFFFF  }
0x42: {  	s31 =	simm.s32 $0x2;
	[sflag:s2] =	ssyncpa.u1 $0x1  }
0x43: {  	[sflag:s31] =	ssyncpa.u1 $0x1  }
0x44: {  	p0 =	sne.s32 s0, $0x0;
	_ =	strace $0x9000004A  }
0x45: {  	s0 =	sadd.s32 @!p0 $0x100000, s1;
	[bflag:$0x2] =	sbarrier.arrive $0xFFFF  }
0x46: {  	[sflag:s0] =	ssyncadd.tile.s32 @!p0 $0x1;
	_ =	shalt  }
.Lfunc_end1:
_tile_overlayer_lowered:
.L_overlay_start_2:
0x47: {  	(tag) =	ssettag $0x2  }
0x48: {  	s0 =	rddreg [dreg:$0x0];
	s2 =	stileid.u32  }
0x49: {  	s1 =	rddreg [dreg:$0x1];
	p0 =	sne.s32 s2, $0x0  }
0x4a: {  	s3 =	rddreg [dreg:$0x2];
	[bflag:$0x3] =	sbarrier.arrive $0xFFFF;
	s2 =	simm.s32 @!p0 $0x1C01  }
0x4b: {  	[timem:s3], [sflag:s2] =	dma.local @!p0 [hbm:s0], s1  }
0x4c: {  	s0 =	simm.s32 @!p0 $0x1  }
0x4d: {  	_ =	swait.ge @!p0 [sflag:s0], s1  }
0x4e: {  	s1 =	ssub.s32 @!p0 $0x0, s1;
	[sflag:s0] =	ssyncset.done @!p0 $0x0  }
0x4f: {  	[sflag:s0] =	ssyncadd.s32 @!p0 s1  }
0x50: {  	[bflag:$0x3] =	sbarrier.arrive $0xFFFF  }
0x51: {  	_ =	shalt  }

</sc_bundles>
